<compile_context>
chip_gen: v7x
topology: tpu7x:2x2x1
jax: 0.10.2.dev20260603
libtpu: 0.0.44.dev20260713+nightly
codegen_flags: <defaults>
</compile_context>

<pallas_src>
import functools

import jax
import jax.numpy as jnp
from jax import lax
from jax.experimental import pallas as pl
from jax.experimental.pallas import tpu as pltpu
from jax.experimental.pallas import tpu_sc as plsc

K = 1024
D = 64
DP = 128
B0 = 16
N = B0 * 1024
BN = 1024
HB = B0 // 2
NB = HB
NH = N // 2
NC = 2
NS = 16
NW = NC * NS
BPW = NH // NW
WPB = BN // BPW
GCH = 128
NCH = BPW // GCH
COMMIT = 0.25



def _tc_dist_body(x_ref, cb_ref, idx_ref, cbp_ref, lsum_ref, acc_ref):
    i = pl.program_id(0)
    xT = x_ref[0]
    cbT = cb_ref[...]
    s = lax.dot_general(xT, cbT, (((0,), (0,)), ((), ())),
                        preferred_element_type=jnp.float32)
    x2 = jnp.sum(xT * xT, axis=0)
    c2 = jnp.sum(cbT * cbT, axis=0)
    d = x2[:, None] - 2.0 * s + c2[None, :]
    minv = jnp.min(d, axis=1)
    iota_f = lax.broadcasted_iota(jnp.int32, (BN, K), 1).astype(jnp.float32)
    cand = jnp.where(d == minv[:, None], iota_f, jnp.float32(K))
    idx = jnp.min(cand, axis=1).astype(jnp.int32)
    idx_ref[...] = idx.reshape(WPB, NCH, GCH)
    bsum = jnp.sum(minv)

    @pl.when(i == 0)
    def _():
        acc_ref[0, 0] = 0.0
        cbp_ref[...] = jnp.concatenate(
            [cbT.T, jnp.zeros((K, DP - D), jnp.float32)], axis=1)

    acc_ref[0, 0] += bsum

    @pl.when(i == NB - 1)
    def _():
        lsum_ref[0, 0] = acc_ref[0, 0]


_tc_dist = pl.pallas_call(
    _tc_dist_body,
    grid=(NB,),
    in_specs=[
        pl.BlockSpec((1, D, BN), lambda i: (i, 0, 0)),
        pl.BlockSpec((D, K), lambda i: (0, 0)),
    ],
    out_specs=[
        pl.BlockSpec((WPB, NCH, GCH), lambda i: (i, 0, 0)),
        pl.BlockSpec((K, DP), lambda i: (0, 0)),
        pl.BlockSpec(memory_space=pltpu.SMEM),
    ],
    out_shape=[
        jax.ShapeDtypeStruct((NW, NCH, GCH), jnp.int32),
        jax.ShapeDtypeStruct((K, DP), jnp.float32),
        jax.ShapeDtypeStruct((1, 1), jnp.float32),
    ],
    scratch_shapes=[pltpu.SMEM((1, 1), jnp.float32)],
)



def _sc_body(idx_hbm, cb_hbm, out_hbm, counts_hbm,
             idx_v, rows_v, ones_v, zer_v, shared_cnt, gsem, osem, hsem):
    c = lax.axis_index("c")
    s = lax.axis_index("s")
    wid = s * NC + c
    pltpu.sync_copy(idx_hbm.at[wid], idx_v)
    gathers = [
        pltpu.async_copy(cb_hbm.at[idx_v.at[j]],
                         rows_v.at[pl.ds(j * GCH, GCH)], gsem)
        for j in range(NCH)
    ]
    for t in range(K // 16):
        zer_v[pl.ds(t * 16, 16)] = jnp.zeros((16,), jnp.float32)
    for t in range(GCH // 16):
        ones_v[pl.ds(t * 16, 16)] = jnp.ones((16,), jnp.float32)

    @pl.when(s == 0)
    def _():
        pltpu.sync_copy(zer_v, shared_cnt)

    plsc.subcore_barrier()
    hists = [
        pltpu.async_copy(ones_v, shared_cnt.at[idx_v.at[j]], add=True,
                         sem=hsem)
        for j in range(NCH)
    ]
    outs = []
    for j in range(NCH):
        gathers[j].wait()
        outs.append(pltpu.async_copy(
            rows_v.at[pl.ds(j * GCH, GCH)],
            out_hbm.at[pl.ds(wid * BPW + j * GCH, GCH)], osem))
    for h in hists:
        h.wait()
    for o in outs:
        o.wait()
    plsc.subcore_barrier()

    @pl.when(s == 0)
    def _():
        pltpu.sync_copy(shared_cnt, counts_hbm.at[c])


@functools.cache
def _sc_gather_hist():
    mesh = plsc.VectorSubcoreMesh(
        core_axis_name="c", subcore_axis_name="s",
        num_cores=NC, num_subcores=NS)
    return pl.kernel(
        _sc_body,
        out_type=(
            jax.ShapeDtypeStruct((NH, DP), jnp.float32),
            jax.ShapeDtypeStruct((NC, K), jnp.float32),
        ),
        mesh=mesh,
        scratch_types=[
            pltpu.VMEM((NCH, GCH), jnp.int32),
            pltpu.VMEM((BPW, DP), jnp.float32),
            pltpu.VMEM((GCH,), jnp.float32),
            pltpu.VMEM((K,), jnp.float32),
            pltpu.VMEM_SHARED((K,), jnp.float32),
            pltpu.SemaphoreType.DMA,
            pltpu.SemaphoreType.DMA,
            pltpu.SemaphoreType.DMA,
        ],
    )



SPF = 2
NB3 = B0 // SPF
HB3 = NB3 // 2


def _tc_fina_body(rows_ref, out_ref):
    for t in range(SPF):
        out_ref[t] = rows_ref[pl.ds(t * 1024, 1024), :D].T


_tc_fina = pl.pallas_call(
    _tc_fina_body,
    grid=(HB3,),
    in_specs=[pl.BlockSpec((SPF * 1024, DP), lambda i: (i, 0))],
    out_specs=pl.BlockSpec((SPF, D, 1024), lambda i: (i, 0, 0)),
    out_shape=jax.ShapeDtypeStruct((B0, D, 1024), jnp.float32),
)


def _tc_finb_body(rows_ref, cnta_ref, cntb_ref, suma_ref, sumb_ref,
                  qpart_ref, out_ref, loss_ref, perp_ref):
    i = pl.program_id(0)
    del qpart_ref
    for t in range(SPF):
        out_ref[t] = rows_ref[pl.ds(t * 1024, 1024), :D].T

    @pl.when(i == HB3 - 1)
    def _():
        loss_ref[0, 0] = ((1.0 + COMMIT) / (N * D)) * (
            suma_ref[0, 0] + sumb_ref[0, 0])
        cnt = cnta_ref[...] + cntb_ref[...]
        p = jnp.sum(cnt, axis=0) * (1.0 / N)
        ent = jnp.sum(p * -jnp.log(p + 1e-10))
        perp_ref[0, 0] = jnp.exp(ent)


_tc_finb = pl.pallas_call(
    _tc_finb_body,
    grid=(HB3,),
    in_specs=[
        pl.BlockSpec((SPF * 1024, DP), lambda i: (i, 0)),
        pl.BlockSpec((NC, K), lambda i: (0, 0)),
        pl.BlockSpec((NC, K), lambda i: (0, 0)),
        pl.BlockSpec(memory_space=pltpu.SMEM),
        pl.BlockSpec(memory_space=pltpu.SMEM),
        pl.BlockSpec(memory_space=pl.ANY),
    ],
    out_specs=[
        pl.BlockSpec((SPF, D, 1024), lambda i: (i + HB3, 0, 0)),
        pl.BlockSpec(memory_space=pltpu.SMEM),
        pl.BlockSpec(memory_space=pltpu.SMEM),
    ],
    out_shape=[
        jax.ShapeDtypeStruct((B0, D, 1024), jnp.float32),
        jax.ShapeDtypeStruct((1, 1), jnp.float32),
        jax.ShapeDtypeStruct((1, 1), jnp.float32),
    ],
    input_output_aliases={5: 0},
)


def kernel(inputs, codebook):
    t_in = jnp.transpose(inputs, (0, 2, 1))
    cbT = codebook.T
    sc = _sc_gather_hist()
    idx_a, cb_pad, sum_a = _tc_dist(t_in[:HB], cbT)
    rows_a, cnt_a = sc(idx_a, cb_pad)
    idx_b, _, sum_b = _tc_dist(t_in[HB:], cbT)
    rows_b, cnt_b = sc(idx_b, cb_pad)
    q_half = _tc_fina(rows_a)
    qT, loss_arr, perp = _tc_finb(rows_b, cnt_a, cnt_b, sum_a, sum_b, q_half)
    quant = jnp.transpose(qT, (0, 2, 1))
    return quant, loss_arr[0, 0], perp[0, 0]

# --- scband reference (transcript-rebuilt; emitter-appended) ---
"""Pipeline reference for scband-vq-24781961298653 (READ-ONLY COPY).

The authoritative reference and input builder live on the scoring server;
editing this copy changes nothing except your own understanding.
"""

import jax, jax.numpy as jnp
import numpy as np

CODEBOOK_SIZE = 1024
CODEBOOK_DIM = 64
COMMITMENT_COST = 0.25


def setup_inputs(seed: int = 0) -> dict:
    key = jax.random.key(seed)
    k1, k2 = jax.random.split(key)
    inputs = jax.random.normal(k1, (16, 1024, CODEBOOK_DIM), dtype=jnp.float32)
    # nn.Embedding default init: N(0, 1)
    codebook = jax.random.normal(k2, (CODEBOOK_SIZE, CODEBOOK_DIM), dtype=jnp.float32)
    return {"inputs": inputs, "codebook": codebook}


def reference(inputs, codebook):
    original_shape = inputs.shape
    flat_inputs = inputs.reshape(-1, CODEBOOK_DIM)  # (N, D)
    # squared L2 distances, expanded form (same math as sum((x-c)^2)):
    x2 = jnp.sum(flat_inputs ** 2, axis=-1, keepdims=True)          # (N, 1)
    c2 = jnp.sum(codebook ** 2, axis=-1)[None, :]                   # (1, K)
    distances = x2 - 2.0 * (flat_inputs @ codebook.T) + c2          # (N, K)
    codebook_indices = jnp.argmin(distances, axis=-1)               # (N,)
    codes = codebook[codebook_indices]                               # (N, D) gather
    quantized = codes.reshape(original_shape)
    # straight-through estimator
    quantized = inputs + jax.lax.stop_gradient(quantized - inputs)
    # losses (faithful to the torch module: computed on post-STE quantized)
    codebook_loss = jnp.mean((quantized - jax.lax.stop_gradient(inputs)) ** 2)
    commitment_loss = COMMITMENT_COST * jnp.mean((inputs - jax.lax.stop_gradient(quantized)) ** 2)
    loss = codebook_loss + commitment_loss
    one_hot_codes = jax.nn.one_hot(codebook_indices, CODEBOOK_SIZE, dtype=inputs.dtype)
    avg_probs = jnp.mean(one_hot_codes, axis=0)
    perplexity = jnp.exp(jnp.sum(avg_probs * -jnp.log(avg_probs + 1e-10)))
    return quantized, loss, perplexity

if __name__ == "__main__":
    import jax
    _d = setup_inputs()
    print(jax.jit(kernel)(*tuple(_d.values())))

</pallas_src>

<mosaic_0001>
#map = affine_map<(d0, d1) -> (0, 0, 0)>
#map1 = affine_map<(d0, d1) -> (0, 0)>
module attributes {stable_mosaic.version = 14 : i64} {
  func.func @_sc_body(%arg0: i32, %arg1: i32, %arg2: memref<32x2x128xi32, #tpu.memory_space<hbm>>, %arg3: memref<1024x128xf32, #tpu.memory_space<hbm>>, %arg4: memref<8192x128xf32, #tpu.memory_space<hbm>>, %arg5: memref<2x1024xf32, #tpu.memory_space<hbm>>, %arg6: memref<2x128xi32, #tpu.memory_space<vmem>>, %arg7: memref<256x128xf32, #tpu.memory_space<vmem>>, %arg8: memref<128xf32, #tpu.memory_space<vmem>>, %arg9: memref<1024xf32, #tpu.memory_space<vmem>>, %arg10: memref<1024xf32, #tpu.memory_space<vmem_shared>>, %arg11: memref<!tpu.dma_semaphore, #tpu.memory_space<semaphore_mem>>, %arg12: memref<!tpu.dma_semaphore, #tpu.memory_space<semaphore_mem>>, %arg13: memref<!tpu.dma_semaphore, #tpu.memory_space<semaphore_mem>>) attributes {dimension_semantics = [#tpu.dimension_semantics<core_parallel>, #tpu.dimension_semantics<subcore_parallel>], iteration_bounds = array<i64: 2, 16>, scalar_prefetch = 0 : i64, scratch_operands = 8 : i64, tpu.core_type = #tpu.core_type<sc_vector_subcore>, window_params = [{transform_indices = #map}, {transform_indices = #map1}, {transform_indices = #map1}, {transform_indices = #map1}]} {
    %mul3A = arith.constant 2 : i32
    %mul3A_0 = arith.muli %arg1, %mul3A : i32
    %add3A = arith.addi %mul3A_0, %arg0 : i32
    "tpu.region"() ({
      %run_scoped3A = tpu.sem_alloc : memref<!tpu.dma_semaphore, #tpu.memory_space<semaphore_mem>>
      %dma_start3A_549 = arith.constant 0 : i32
      %dma_start3A_550 = arith.constant 0 : i32
      %dma_start3A_551 = tpu.memref_slice %arg2[%add3A, %dma_start3A_549, %dma_start3A_550] : memref<32x2x128xi32, #tpu.memory_space<hbm>> -> memref<1x2x128xi32, #tpu.memory_space<hbm>>
      %dma_start3A_552 = tpu.memref_squeeze %dma_start3A_551 : memref<1x2x128xi32, #tpu.memory_space<hbm>> -> memref<2x128xi32, #tpu.memory_space<hbm>>
      %dma_start3A_553 = arith.constant 0 : i32
      %dma_start3A_554 = arith.constant 0 : i32
      %dma_start3A_555 = tpu.memref_slice %arg2[%add3A, %dma_start3A_553, %dma_start3A_554] : memref<32x2x128xi32, #tpu.memory_space<hbm>> -> memref<1x2x128xi32, #tpu.memory_space<hbm>>
      %dma_start3A_556 = tpu.memref_squeeze %dma_start3A_555 : memref<1x2x128xi32, #tpu.memory_space<hbm>> -> memref<2x128xi32, #tpu.memory_space<hbm>>
      tpu.enqueue_dma source(%dma_start3A_556 : memref<2x128xi32, #tpu.memory_space<hbm>>) target(%arg6 : memref<2x128xi32, #tpu.memory_space<vmem>>) target_semaphore(%run_scoped3A : memref<!tpu.dma_semaphore, #tpu.memory_space<semaphore_mem>>)
      %dma_wait3A_557 = arith.constant 0 : i32
      %dma_wait3A_558 = arith.constant 0 : i32
      %dma_wait3A_559 = tpu.memref_slice %arg2[%add3A, %dma_wait3A_557, %dma_wait3A_558] : memref<32x2x128xi32, #tpu.memory_space<hbm>> -> memref<1x2x128xi32, #tpu.memory_space<hbm>>
      %dma_wait3A_560 = tpu.memref_squeeze %dma_wait3A_559 : memref<1x2x128xi32, #tpu.memory_space<hbm>> -> memref<2x128xi32, #tpu.memory_space<hbm>>
      %dma_wait3A_561 = arith.constant 0 : i32
      %dma_wait3A_562 = arith.constant 0 : i32
      %dma_wait3A_563 = tpu.memref_slice %arg2[%add3A, %dma_wait3A_561, %dma_wait3A_562] : memref<32x2x128xi32, #tpu.memory_space<hbm>> -> memref<1x2x128xi32, #tpu.memory_space<hbm>>
      %dma_wait3A_564 = tpu.memref_squeeze %dma_wait3A_563 : memref<1x2x128xi32, #tpu.memory_space<hbm>> -> memref<2x128xi32, #tpu.memory_space<hbm>>
      tpu.wait_dma2 semaphore(%run_scoped3A : memref<!tpu.dma_semaphore, #tpu.memory_space<semaphore_mem>>) src(%dma_wait3A_564 : memref<2x128xi32, #tpu.memory_space<hbm>>) dst(%arg6 : memref<2x128xi32, #tpu.memory_space<vmem>>)
      tpu.yield
    }) : () -> ()
    %dma_start3A = arith.constant 0 : i32
    %dma_start3A_1 = arith.constant 0 : i32
    %dma_start3A_2 = arith.constant 0 : i32
    %dma_start3A_3 = tpu.memref_slice %arg7[%dma_start3A_1, %dma_start3A_2] : memref<256x128xf32, #tpu.memory_space<vmem>> -> memref<128x128xf32, #tpu.memory_space<vmem>>
    %dma_start3A_4 = arith.constant 0 : i32
    %dma_start3A_5 = tpu.memref_slice %arg6[%dma_start3A, %dma_start3A_4] : memref<2x128xi32, #tpu.memory_space<vmem>> -> memref<1x128xi32, #tpu.memory_space<vmem>>
    %dma_start3A_6 = tpu.memref_squeeze %dma_start3A_5 : memref<1x128xi32, #tpu.memory_space<vmem>> -> memref<128xi32, #tpu.memory_space<vmem>>
    %dma_start3A_7 = arith.constant 0 : i32
    %dma_start3A_8 = arith.constant 0 : i32
    %dma_start3A_9 = tpu.memref_slice %arg3[%dma_start3A_7, %dma_start3A_8] : memref<1024x128xf32, #tpu.memory_space<hbm>> -> memref<1024x128xf32, #tpu.memory_space<hbm>>
    tpu.enqueue_indirect_dma source(%dma_start3A_9 : memref<1024x128xf32, #tpu.memory_space<hbm>>) target(%dma_start3A_3 : memref<128x128xf32, #tpu.memory_space<vmem>>) offsets(%dma_start3A_6 : memref<128xi32, #tpu.memory_space<vmem>>) semaphore(%arg11 : memref<!tpu.dma_semaphore, #tpu.memory_space<semaphore_mem>>)
    %dma_start3A_10 = arith.constant 1 : i32
    %dma_start3A_11 = arith.constant 128 : i32
    %dma_start3A_12 = arith.constant 0 : i32
    %dma_start3A_13 = tpu.memref_slice %arg7[%dma_start3A_11, %dma_start3A_12] : memref<256x128xf32, #tpu.memory_space<vmem>> -> memref<128x128xf32, #tpu.memory_space<vmem>>
    %dma_start3A_14 = arith.constant 0 : i32
    %dma_start3A_15 = tpu.memref_slice %arg6[%dma_start3A_10, %dma_start3A_14] : memref<2x128xi32, #tpu.memory_space<vmem>> -> memref<1x128xi32, #tpu.memory_space<vmem>>
    %dma_start3A_16 = tpu.memref_squeeze %dma_start3A_15 : memref<1x128xi32, #tpu.memory_space<vmem>> -> memref<128xi32, #tpu.memory_space<vmem>>
    %dma_start3A_17 = arith.constant 0 : i32
    %dma_start3A_18 = arith.constant 0 : i32
    %dma_start3A_19 = tpu.memref_slice %arg3[%dma_start3A_17, %dma_start3A_18] : memref<1024x128xf32, #tpu.memory_space<hbm>> -> memref<1024x128xf32, #tpu.memory_space<hbm>>
    tpu.enqueue_indirect_dma source(%dma_start3A_19 : memref<1024x128xf32, #tpu.memory_space<hbm>>) target(%dma_start3A_13 : memref<128x128xf32, #tpu.memory_space<vmem>>) offsets(%dma_start3A_16 : memref<128xi32, #tpu.memory_space<vmem>>) semaphore(%arg11 : memref<!tpu.dma_semaphore, #tpu.memory_space<semaphore_mem>>)
    %broadcast_in_dim3A = arith.constant 0.000000e+00 : f32
    %broadcast_in_dim3A_20 = vector.broadcast %broadcast_in_dim3A : f32 to vector<16xf32>
    %swap3A = arith.constant 0 : index
    %swap3A_21 = tpu.vector_load %arg9[%swap3A] {strides = array<i32>} : memref<1024xf32, #tpu.memory_space<vmem>>, vector<16xf32>,
    %swap3A_22 = vector.shape_cast %swap3A_21 : vector<16xf32> to vector<16xf32>
    %swap3A_23 = vector.shape_cast %broadcast_in_dim3A_20 : vector<16xf32> to vector<16xf32>
    tpu.vector_store %arg9[%swap3A], %swap3A_23 {strides = array<i32>} : memref<1024xf32, #tpu.memory_space<vmem>>, vector<16xf32>,
    %broadcast_in_dim3A_24 = arith.constant 0.000000e+00 : f32
    %broadcast_in_dim3A_25 = vector.broadcast %broadcast_in_dim3A_24 : f32 to vector<16xf32>
    %swap3A_26 = arith.constant 16 : index
    %swap3A_27 = tpu.vector_load %arg9[%swap3A_26] {strides = array<i32>} : memref<1024xf32, #tpu.memory_space<vmem>>, vector<16xf32>,
    %swap3A_28 = vector.shape_cast %swap3A_27 : vector<16xf32> to vector<16xf32>
    %swap3A_29 = vector.shape_cast %broadcast_in_dim3A_25 : vector<16xf32> to vector<16xf32>
    tpu.vector_store %arg9[%swap3A_26], %swap3A_29 {strides = array<i32>} : memref<1024xf32, #tpu.memory_space<vmem>>, vector<16xf32>,
    %broadcast_in_dim3A_30 = arith.constant 0.000000e+00 : f32
    %broadcast_in_dim3A_31 = vector.broadcast %broadcast_in_dim3A_30 : f32 to vector<16xf32>
    %swap3A_32 = arith.constant 32 : index
    %swap3A_33 = tpu.vector_load %arg9[%swap3A_32] {strides = array<i32>} : memref<1024xf32, #tpu.memory_space<vmem>>, vector<16xf32>,
    %swap3A_34 = vector.shape_cast %swap3A_33 : vector<16xf32> to vector<16xf32>
    %swap3A_35 = vector.shape_cast %broadcast_in_dim3A_31 : vector<16xf32> to vector<16xf32>
    tpu.vector_store %arg9[%swap3A_32], %swap3A_35 {strides = array<i32>} : memref<1024xf32, #tpu.memory_space<vmem>>, vector<16xf32>,
    %broadcast_in_dim3A_36 = arith.constant 0.000000e+00 : f32
    %broadcast_in_dim3A_37 = vector.broadcast %broadcast_in_dim3A_36 : f32 to vector<16xf32>
    %swap3A_38 = arith.constant 48 : index
    %swap3A_39 = tpu.vector_load %arg9[%swap3A_38] {strides = array<i32>} : memref<1024xf32, #tpu.memory_space<vmem>>, vector<16xf32>,
    %swap3A_40 = vector.shape_cast %swap3A_39 : vector<16xf32> to vector<16xf32>
    %swap3A_41 = vector.shape_cast %broadcast_in_dim3A_37 : vector<16xf32> to vector<16xf32>
    tpu.vector_store %arg9[%swap3A_38], %swap3A_41 {strides = array<i32>} : memref<1024xf32, #tpu.memory_space<vmem>>, vector<16xf32>,
    %broadcast_in_dim3A_42 = arith.constant 0.000000e+00 : f32
    %broadcast_in_dim3A_43 = vector.broadcast %broadcast_in_dim3A_42 : f32 to vector<16xf32>
    %swap3A_44 = arith.constant 64 : index
    %swap3A_45 = tpu.vector_load %arg9[%swap3A_44] {strides = array<i32>} : memref<1024xf32, #tpu.memory_space<vmem>>, vector<16xf32>,
    %swap3A_46 = vector.shape_cast %swap3A_45 : vector<16xf32> to vector<16xf32>
    %swap3A_47 = vector.shape_cast %broadcast_in_dim3A_43 : vector<16xf32> to vector<16xf32>
    tpu.vector_store %arg9[%swap3A_44], %swap3A_47 {strides = array<i32>} : memref<1024xf32, #tpu.memory_space<vmem>>, vector<16xf32>,
    %broadcast_in_dim3A_48 = arith.constant 0.000000e+00 : f32
    %broadcast_in_dim3A_49 = vector.broadcast %broadcast_in_dim3A_48 : f32 to vector<16xf32>
    %swap3A_50 = arith.constant 80 : index
    %swap3A_51 = tpu.vector_load %arg9[%swap3A_50] {strides = array<i32>} : memref<1024xf32, #tpu.memory_space<vmem>>, vector<16xf32>,
    %swap3A_52 = vector.shape_cast %swap3A_51 : vector<16xf32> to vector<16xf32>
    %swap3A_53 = vector.shape_cast %broadcast_in_dim3A_49 : vector<16xf32> to vector<16xf32>
    tpu.vector_store %arg9[%swap3A_50], %swap3A_53 {strides = array<i32>} : memref<1024xf32, #tpu.memory_space<vmem>>, vector<16xf32>,
    %broadcast_in_dim3A_54 = arith.constant 0.000000e+00 : f32
    %broadcast_in_dim3A_55 = vector.broadcast %broadcast_in_dim3A_54 : f32 to vector<16xf32>
    %swap3A_56 = arith.constant 96 : index
    %swap3A_57 = tpu.vector_load %arg9[%swap3A_56] {strides = array<i32>} : memref<1024xf32, #tpu.memory_space<vmem>>, vector<16xf32>,
    %swap3A_58 = vector.shape_cast %swap3A_57 : vector<16xf32> to vector<16xf32>
    %swap3A_59 = vector.shape_cast %broadcast_in_dim3A_55 : vector<16xf32> to vector<16xf32>
    tpu.vector_store %arg9[%swap3A_56], %swap3A_59 {strides = array<i32>} : memref<1024xf32, #tpu.memory_space<vmem>>, vector<16xf32>,
    %broadcast_in_dim3A_60 = arith.constant 0.000000e+00 : f32
    %broadcast_in_dim3A_61 = vector.broadcast %broadcast_in_dim3A_60 : f32 to vector<16xf32>
    %swap3A_62 = arith.constant 112 : index
    %swap3A_63 = tpu.vector_load %arg9[%swap3A_62] {strides = array<i32>} : memref<1024xf32, #tpu.memory_space<vmem>>, vector<16xf32>,
    %swap3A_64 = vector.shape_cast %swap3A_63 : vector<16xf32> to vector<16xf32>
    %swap3A_65 = vector.shape_cast %broadcast_in_dim3A_61 : vector<16xf32> to vector<16xf32>
    tpu.vector_store %arg9[%swap3A_62], %swap3A_65 {strides = array<i32>} : memref<1024xf32, #tpu.memory_space<vmem>>, vector<16xf32>,
    %broadcast_in_dim3A_66 = arith.constant 0.000000e+00 : f32
    %broadcast_in_dim3A_67 = vector.broadcast %broadcast_in_dim3A_66 : f32 to vector<16xf32>
    %swap3A_68 = arith.constant 128 : index
    %swap3A_69 = tpu.vector_load %arg9[%swap3A_68] {strides = array<i32>} : memref<1024xf32, #tpu.memory_space<vmem>>, vector<16xf32>,
    %swap3A_70 = vector.shape_cast %swap3A_69 : vector<16xf32> to vector<16xf32>
    %swap3A_71 = vector.shape_cast %broadcast_in_dim3A_67 : vector<16xf32> to vector<16xf32>
    tpu.vector_store %arg9[%swap3A_68], %swap3A_71 {strides = array<i32>} : memref<1024xf32, #tpu.memory_space<vmem>>, vector<16xf32>,
    %broadcast_in_dim3A_72 = arith.constant 0.000000e+00 : f32
    %broadcast_in_dim3A_73 = vector.broadcast %broadcast_in_dim3A_72 : f32 to vector<16xf32>
    %swap3A_74 = arith.constant 144 : index
    %swap3A_75 = tpu.vector_load %arg9[%swap3A_74] {strides = array<i32>} : memref<1024xf32, #tpu.memory_space<vmem>>, vector<16xf32>,
    %swap3A_76 = vector.shape_cast %swap3A_75 : vector<16xf32> to vector<16xf32>
    %swap3A_77 = vector.shape_cast %broadcast_in_dim3A_73 : vector<16xf32> to vector<16xf32>
    tpu.vector_store %arg9[%swap3A_74], %swap3A_77 {strides = array<i32>} : memref<1024xf32, #tpu.memory_space<vmem>>, vector<16xf32>,
    %broadcast_in_dim3A_78 = arith.constant 0.000000e+00 : f32
    %broadcast_in_dim3A_79 = vector.broadcast %broadcast_in_dim3A_78 : f32 to vector<16xf32>
    %swap3A_80 = arith.constant 160 : index
    %swap3A_81 = tpu.vector_load %arg9[%swap3A_80] {strides = array<i32>} : memref<1024xf32, #tpu.memory_space<vmem>>, vector<16xf32>,
    %swap3A_82 = vector.shape_cast %swap3A_81 : vector<16xf32> to vector<16xf32>
    %swap3A_83 = vector.shape_cast %broadcast_in_dim3A_79 : vector<16xf32> to vector<16xf32>
    tpu.vector_store %arg9[%swap3A_80], %swap3A_83 {strides = array<i32>} : memref<1024xf32, #tpu.memory_space<vmem>>, vector<16xf32>,
    %broadcast_in_dim3A_84 = arith.constant 0.000000e+00 : f32
    %broadcast_in_dim3A_85 = vector.broadcast %broadcast_in_dim3A_84 : f32 to vector<16xf32>
    %swap3A_86 = arith.constant 176 : index
    %swap3A_87 = tpu.vector_load %arg9[%swap3A_86] {strides = array<i32>} : memref<1024xf32, #tpu.memory_space<vmem>>, vector<16xf32>,
    %swap3A_88 = vector.shape_cast %swap3A_87 : vector<16xf32> to vector<16xf32>
    %swap3A_89 = vector.shape_cast %broadcast_in_dim3A_85 : vector<16xf32> to vector<16xf32>
    tpu.vector_store %arg9[%swap3A_86], %swap3A_89 {strides = array<i32>} : memref<1024xf32, #tpu.memory_space<vmem>>, vector<16xf32>,
    %broadcast_in_dim3A_90 = arith.constant 0.000000e+00 : f32
    %broadcast_in_dim3A_91 = vector.broadcast %broadcast_in_dim3A_90 : f32 to vector<16xf32>
    %swap3A_92 = arith.constant 192 : index
    %swap3A_93 = tpu.vector_load %arg9[%swap3A_92] {strides = array<i32>} : memref<1024xf32, #tpu.memory_space<vmem>>, vector<16xf32>,
    %swap3A_94 = vector.shape_cast %swap3A_93 : vector<16xf32> to vector<16xf32>
    %swap3A_95 = vector.shape_cast %broadcast_in_dim3A_91 : vector<16xf32> to vector<16xf32>
    tpu.vector_store %arg9[%swap3A_92], %swap3A_95 {strides = array<i32>} : memref<1024xf32, #tpu.memory_space<vmem>>, vector<16xf32>,
    %broadcast_in_dim3A_96 = arith.constant 0.000000e+00 : f32
    %broadcast_in_dim3A_97 = vector.broadcast %broadcast_in_dim3A_96 : f32 to vector<16xf32>
    %swap3A_98 = arith.constant 208 : index
    %swap3A_99 = tpu.vector_load %arg9[%swap3A_98] {strides = array<i32>} : memref<1024xf32, #tpu.memory_space<vmem>>, vector<16xf32>,
    %swap3A_100 = vector.shape_cast %swap3A_99 : vector<16xf32> to vector<16xf32>
    %swap3A_101 = vector.shape_cast %broadcast_in_dim3A_97 : vector<16xf32> to vector<16xf32>
    tpu.vector_store %arg9[%swap3A_98], %swap3A_101 {strides = array<i32>} : memref<1024xf32, #tpu.memory_space<vmem>>, vector<16xf32>,
    %broadcast_in_dim3A_102 = arith.constant 0.000000e+00 : f32
    %broadcast_in_dim3A_103 = vector.broadcast %broadcast_in_dim3A_102 : f32 to vector<16xf32>
    %swap3A_104 = arith.constant 224 : index
    %swap3A_105 = tpu.vector_load %arg9[%swap3A_104] {strides = array<i32>} : memref<1024xf32, #tpu.memory_space<vmem>>, vector<16xf32>,
    %swap3A_106 = vector.shape_cast %swap3A_105 : vector<16xf32> to vector<16xf32>
    %swap3A_107 = vector.shape_cast %broadcast_in_dim3A_103 : vector<16xf32> to vector<16xf32>
    tpu.vector_store %arg9[%swap3A_104], %swap3A_107 {strides = array<i32>} : memref<1024xf32, #tpu.memory_space<vmem>>, vector<16xf32>,
    %broadcast_in_dim3A_108 = arith.constant 0.000000e+00 : f32
    %broadcast_in_dim3A_109 = vector.broadcast %broadcast_in_dim3A_108 : f32 to vector<16xf32>
    %swap3A_110 = arith.constant 240 : index
    %swap3A_111 = tpu.vector_load %arg9[%swap3A_110] {strides = array<i32>} : memref<1024xf32, #tpu.memory_space<vmem>>, vector<16xf32>,
    %swap3A_112 = vector.shape_cast %swap3A_111 : vector<16xf32> to vector<16xf32>
    %swap3A_113 = vector.shape_cast %broadcast_in_dim3A_109 : vector<16xf32> to vector<16xf32>
    tpu.vector_store %arg9[%swap3A_110], %swap3A_113 {strides = array<i32>} : memref<1024xf32, #tpu.memory_space<vmem>>, vector<16xf32>,
    %broadcast_in_dim3A_114 = arith.constant 0.000000e+00 : f32
    %broadcast_in_dim3A_115 = vector.broadcast %broadcast_in_dim3A_114 : f32 to vector<16xf32>
    %swap3A_116 = arith.constant 256 : index
    %swap3A_117 = tpu.vector_load %arg9[%swap3A_116] {strides = array<i32>} : memref<1024xf32, #tpu.memory_space<vmem>>, vector<16xf32>,
    %swap3A_118 = vector.shape_cast %swap3A_117 : vector<16xf32> to vector<16xf32>
    %swap3A_119 = vector.shape_cast %broadcast_in_dim3A_115 : vector<16xf32> to vector<16xf32>
    tpu.vector_store %arg9[%swap3A_116], %swap3A_119 {strides = array<i32>} : memref<1024xf32, #tpu.memory_space<vmem>>, vector<16xf32>,
    %broadcast_in_dim3A_120 = arith.constant 0.000000e+00 : f32
    %broadcast_in_dim3A_121 = vector.broadcast %broadcast_in_dim3A_120 : f32 to vector<16xf32>
    %swap3A_122 = arith.constant 272 : index
    %swap3A_123 = tpu.vector_load %arg9[%swap3A_122] {strides = array<i32>} : memref<1024xf32, #tpu.memory_space<vmem>>, vector<16xf32>,
    %swap3A_124 = vector.shape_cast %swap3A_123 : vector<16xf32> to vector<16xf32>
    %swap3A_125 = vector.shape_cast %broadcast_in_dim3A_121 : vector<16xf32> to vector<16xf32>
    tpu.vector_store %arg9[%swap3A_122], %swap3A_125 {strides = array<i32>} : memref<1024xf32, #tpu.memory_space<vmem>>, vector<16xf32>,
    %broadcast_in_dim3A_126 = arith.constant 0.000000e+00 : f32
    %broadcast_in_dim3A_127 = vector.broadcast %broadcast_in_dim3A_126 : f32 to vector<16xf32>
    %swap3A_128 = arith.constant 288 : index
    %swap3A_129 = tpu.vector_load %arg9[%swap3A_128] {strides = array<i32>} : memref<1024xf32, #tpu.memory_space<vmem>>, vector<16xf32>,
    %swap3A_130 = vector.shape_cast %swap3A_129 : vector<16xf32> to vector<16xf32>
    %swap3A_131 = vector.shape_cast %broadcast_in_dim3A_127 : vector<16xf32> to vector<16xf32>
    tpu.vector_store %arg9[%swap3A_128], %swap3A_131 {strides = array<i32>} : memref<1024xf32, #tpu.memory_space<vmem>>, vector<16xf32>,
    %broadcast_in_dim3A_132 = arith.constant 0.000000e+00 : f32
    %broadcast_in_dim3A_133 = vector.broadcast %broadcast_in_dim3A_132 : f32 to vector<16xf32>
    %swap3A_134 = arith.constant 304 : index
    %swap3A_135 = tpu.vector_load %arg9[%swap3A_134] {strides = array<i32>} : memref<1024xf32, #tpu.memory_space<vmem>>, vector<16xf32>,
    %swap3A_136 = vector.shape_cast %swap3A_135 : vector<16xf32> to vector<16xf32>
    %swap3A_137 = vector.shape_cast %broadcast_in_dim3A_133 : vector<16xf32> to vector<16xf32>
    tpu.vector_store %arg9[%swap3A_134], %swap3A_137 {strides = array<i32>} : memref<1024xf32, #tpu.memory_space<vmem>>, vector<16xf32>,
    %broadcast_in_dim3A_138 = arith.constant 0.000000e+00 : f32
    %broadcast_in_dim3A_139 = vector.broadcast %broadcast_in_dim3A_138 : f32 to vector<16xf32>
    %swap3A_140 = arith.constant 320 : index
    %swap3A_141 = tpu.vector_load %arg9[%swap3A_140] {strides = array<i32>} : memref<1024xf32, #tpu.memory_space<vmem>>, vector<16xf32>,
    %swap3A_142 = vector.shape_cast %swap3A_141 : vector<16xf32> to vector<16xf32>
    %swap3A_143 = vector.shape_cast %broadcast_in_dim3A_139 : vector<16xf32> to vector<16xf32>
    tpu.vector_store %arg9[%swap3A_140], %swap3A_143 {strides = array<i32>} : memref<1024xf32, #tpu.memory_space<vmem>>, vector<16xf32>,
    %broadcast_in_dim3A_144 = arith.constant 0.000000e+00 : f32
    %broadcast_in_dim3A_145 = vector.broadcast %broadcast_in_dim3A_144 : f32 to vector<16xf32>
    %swap3A_146 = arith.constant 336 : index
    %swap3A_147 = tpu.vector_load %arg9[%swap3A_146] {strides = array<i32>} : memref<1024xf32, #tpu.memory_space<vmem>>, vector<16xf32>,
    %swap3A_148 = vector.shape_cast %swap3A_147 : vector<16xf32> to vector<16xf32>
    %swap3A_149 = vector.shape_cast %broadcast_in_dim3A_145 : vector<16xf32> to vector<16xf32>
    tpu.vector_store %arg9[%swap3A_146], %swap3A_149 {strides = array<i32>} : memref<1024xf32, #tpu.memory_space<vmem>>, vector<16xf32>,
    %broadcast_in_dim3A_150 = arith.constant 0.000000e+00 : f32
    %broadcast_in_dim3A_151 = vector.broadcast %broadcast_in_dim3A_150 : f32 to vector<16xf32>
    %swap3A_152 = arith.constant 352 : index
    %swap3A_153 = tpu.vector_load %arg9[%swap3A_152] {strides = array<i32>} : memref<1024xf32, #tpu.memory_space<vmem>>, vector<16xf32>,
    %swap3A_154 = vector.shape_cast %swap3A_153 : vector<16xf32> to vector<16xf32>
    %swap3A_155 = vector.shape_cast %broadcast_in_dim3A_151 : vector<16xf32> to vector<16xf32>
    tpu.vector_store %arg9[%swap3A_152], %swap3A_155 {strides = array<i32>} : memref<1024xf32, #tpu.memory_space<vmem>>, vector<16xf32>,
    %broadcast_in_dim3A_156 = arith.constant 0.000000e+00 : f32
    %broadcast_in_dim3A_157 = vector.broadcast %broadcast_in_dim3A_156 : f32 to vector<16xf32>
    %swap3A_158 = arith.constant 368 : index
    %swap3A_159 = tpu.vector_load %arg9[%swap3A_158] {strides = array<i32>} : memref<1024xf32, #tpu.memory_space<vmem>>, vector<16xf32>,
    %swap3A_160 = vector.shape_cast %swap3A_159 : vector<16xf32> to vector<16xf32>
    %swap3A_161 = vector.shape_cast %broadcast_in_dim3A_157 : vector<16xf32> to vector<16xf32>
    tpu.vector_store %arg9[%swap3A_158], %swap3A_161 {strides = array<i32>} : memref<1024xf32, #tpu.memory_space<vmem>>, vector<16xf32>,
    %broadcast_in_dim3A_162 = arith.constant 0.000000e+00 : f32
    %broadcast_in_dim3A_163 = vector.broadcast %broadcast_in_dim3A_162 : f32 to vector<16xf32>
    %swap3A_164 = arith.constant 384 : index
    %swap3A_165 = tpu.vector_load %arg9[%swap3A_164] {strides = array<i32>} : memref<1024xf32, #tpu.memory_space<vmem>>, vector<16xf32>,
    %swap3A_166 = vector.shape_cast %swap3A_165 : vector<16xf32> to vector<16xf32>
    %swap3A_167 = vector.shape_cast %broadcast_in_dim3A_163 : vector<16xf32> to vector<16xf32>
    tpu.vector_store %arg9[%swap3A_164], %swap3A_167 {strides = array<i32>} : memref<1024xf32, #tpu.memory_space<vmem>>, vector<16xf32>,
    %broadcast_in_dim3A_168 = arith.constant 0.000000e+00 : f32
    %broadcast_in_dim3A_169 = vector.broadcast %broadcast_in_dim3A_168 : f32 to vector<16xf32>
    %swap3A_170 = arith.constant 400 : index
    %swap3A_171 = tpu.vector_load %arg9[%swap3A_170] {strides = array<i32>} : memref<1024xf32, #tpu.memory_space<vmem>>, vector<16xf32>,
    %swap3A_172 = vector.shape_cast %swap3A_171 : vector<16xf32> to vector<16xf32>
    %swap3A_173 = vector.shape_cast %broadcast_in_dim3A_169 : vector<16xf32> to vector<16xf32>
    tpu.vector_store %arg9[%swap3A_170], %swap3A_173 {strides = array<i32>} : memref<1024xf32, #tpu.memory_space<vmem>>, vector<16xf32>,
    %broadcast_in_dim3A_174 = arith.constant 0.000000e+00 : f32
    %broadcast_in_dim3A_175 = vector.broadcast %broadcast_in_dim3A_174 : f32 to vector<16xf32>
    %swap3A_176 = arith.constant 416 : index
    %swap3A_177 = tpu.vector_load %arg9[%swap3A_176] {strides = array<i32>} : memref<1024xf32, #tpu.memory_space<vmem>>, vector<16xf32>,
    %swap3A_178 = vector.shape_cast %swap3A_177 : vector<16xf32> to vector<16xf32>
    %swap3A_179 = vector.shape_cast %broadcast_in_dim3A_175 : vector<16xf32> to vector<16xf32>
    tpu.vector_store %arg9[%swap3A_176], %swap3A_179 {strides = array<i32>} : memref<1024xf32, #tpu.memory_space<vmem>>, vector<16xf32>,
    %broadcast_in_dim3A_180 = arith.constant 0.000000e+00 : f32
    %broadcast_in_dim3A_181 = vector.broadcast %broadcast_in_dim3A_180 : f32 to vector<16xf32>
    %swap3A_182 = arith.constant 432 : index
    %swap3A_183 = tpu.vector_load %arg9[%swap3A_182] {strides = array<i32>} : memref<1024xf32, #tpu.memory_space<vmem>>, vector<16xf32>,
    %swap3A_184 = vector.shape_cast %swap3A_183 : vector<16xf32> to vector<16xf32>
    %swap3A_185 = vector.shape_cast %broadcast_in_dim3A_181 : vector<16xf32> to vector<16xf32>
    tpu.vector_store %arg9[%swap3A_182], %swap3A_185 {strides = array<i32>} : memref<1024xf32, #tpu.memory_space<vmem>>, vector<16xf32>,
    %broadcast_in_dim3A_186 = arith.constant 0.000000e+00 : f32
    %broadcast_in_dim3A_187 = vector.broadcast %broadcast_in_dim3A_186 : f32 to vector<16xf32>
    %swap3A_188 = arith.constant 448 : index
    %swap3A_189 = tpu.vector_load %arg9[%swap3A_188] {strides = array<i32>} : memref<1024xf32, #tpu.memory_space<vmem>>, vector<16xf32>,
    %swap3A_190 = vector.shape_cast %swap3A_189 : vector<16xf32> to vector<16xf32>
    %swap3A_191 = vector.shape_cast %broadcast_in_dim3A_187 : vector<16xf32> to vector<16xf32>
    tpu.vector_store %arg9[%swap3A_188], %swap3A_191 {strides = array<i32>} : memref<1024xf32, #tpu.memory_space<vmem>>, vector<16xf32>,
    %broadcast_in_dim3A_192 = arith.constant 0.000000e+00 : f32
    %broadcast_in_dim3A_193 = vector.broadcast %broadcast_in_dim3A_192 : f32 to vector<16xf32>
    %swap3A_194 = arith.constant 464 : index
    %swap3A_195 = tpu.vector_load %arg9[%swap3A_194] {strides = array<i32>} : memref<1024xf32, #tpu.memory_space<vmem>>, vector<16xf32>,
    %swap3A_196 = vector.shape_cast %swap3A_195 : vector<16xf32> to vector<16xf32>
    %swap3A_197 = vector.shape_cast %broadcast_in_dim3A_193 : vector<16xf32> to vector<16xf32>
    tpu.vector_store %arg9[%swap3A_194], %swap3A_197 {strides = array<i32>} : memref<1024xf32, #tpu.memory_space<vmem>>, vector<16xf32>,
    %broadcast_in_dim3A_198 = arith.constant 0.000000e+00 : f32
    %broadcast_in_dim3A_199 = vector.broadcast %broadcast_in_dim3A_198 : f32 to vector<16xf32>
    %swap3A_200 = arith.constant 480 : index
    %swap3A_201 = tpu.vector_load %arg9[%swap3A_200] {strides = array<i32>} : memref<1024xf32, #tpu.memory_space<vmem>>, vector<16xf32>,
    %swap3A_202 = vector.shape_cast %swap3A_201 : vector<16xf32> to vector<16xf32>
    %swap3A_203 = vector.shape_cast %broadcast_in_dim3A_199 : vector<16xf32> to vector<16xf32>
    tpu.vector_store %arg9[%swap3A_200], %swap3A_203 {strides = array<i32>} : memref<1024xf32, #tpu.memory_space<vmem>>, vector<16xf32>,
    %broadcast_in_dim3A_204 = arith.constant 0.000000e+00 : f32
    %broadcast_in_dim3A_205 = vector.broadcast %broadcast_in_dim3A_204 : f32 to vector<16xf32>
    %swap3A_206 = arith.constant 496 : index
    %swap3A_207 = tpu.vector_load %arg9[%swap3A_206] {strides = array<i32>} : memref<1024xf32, #tpu.memory_space<vmem>>, vector<16xf32>,
    %swap3A_208 = vector.shape_cast %swap3A_207 : vector<16xf32> to vector<16xf32>
    %swap3A_209 = vector.shape_cast %broadcast_in_dim3A_205 : vector<16xf32> to vector<16xf32>
    tpu.vector_store %arg9[%swap3A_206], %swap3A_209 {strides = array<i32>} : memref<1024xf32, #tpu.memory_space<vmem>>, vector<16xf32>,
    %broadcast_in_dim3A_210 = arith.constant 0.000000e+00 : f32
    %broadcast_in_dim3A_211 = vector.broadcast %broadcast_in_dim3A_210 : f32 to vector<16xf32>
    %swap3A_212 = arith.constant 512 : index
    %swap3A_213 = tpu.vector_load %arg9[%swap3A_212] {strides = array<i32>} : memref<1024xf32, #tpu.memory_space<vmem>>, vector<16xf32>,
    %swap3A_214 = vector.shape_cast %swap3A_213 : vector<16xf32> to vector<16xf32>
    %swap3A_215 = vector.shape_cast %broadcast_in_dim3A_211 : vector<16xf32> to vector<16xf32>
    tpu.vector_store %arg9[%swap3A_212], %swap3A_215 {strides = array<i32>} : memref<1024xf32, #tpu.memory_space<vmem>>, vector<16xf32>,
    %broadcast_in_dim3A_216 = arith.constant 0.000000e+00 : f32
    %broadcast_in_dim3A_217 = vector.broadcast %broadcast_in_dim3A_216 : f32 to vector<16xf32>
    %swap3A_218 = arith.constant 528 : index
    %swap3A_219 = tpu.vector_load %arg9[%swap3A_218] {strides = array<i32>} : memref<1024xf32, #tpu.memory_space<vmem>>, vector<16xf32>,
    %swap3A_220 = vector.shape_cast %swap3A_219 : vector<16xf32> to vector<16xf32>
    %swap3A_221 = vector.shape_cast %broadcast_in_dim3A_217 : vector<16xf32> to vector<16xf32>
    tpu.vector_store %arg9[%swap3A_218], %swap3A_221 {strides = array<i32>} : memref<1024xf32, #tpu.memory_space<vmem>>, vector<16xf32>,
    %broadcast_in_dim3A_222 = arith.constant 0.000000e+00 : f32
    %broadcast_in_dim3A_223 = vector.broadcast %broadcast_in_dim3A_222 : f32 to vector<16xf32>
    %swap3A_224 = arith.constant 544 : index
    %swap3A_225 = tpu.vector_load %arg9[%swap3A_224] {strides = array<i32>} : memref<1024xf32, #tpu.memory_space<vmem>>, vector<16xf32>,
    %swap3A_226 = vector.shape_cast %swap3A_225 : vector<16xf32> to vector<16xf32>
    %swap3A_227 = vector.shape_cast %broadcast_in_dim3A_223 : vector<16xf32> to vector<16xf32>
    tpu.vector_store %arg9[%swap3A_224], %swap3A_227 {strides = array<i32>} : memref<1024xf32, #tpu.memory_space<vmem>>, vector<16xf32>,
    %broadcast_in_dim3A_228 = arith.constant 0.000000e+00 : f32
    %broadcast_in_dim3A_229 = vector.broadcast %broadcast_in_dim3A_228 : f32 to vector<16xf32>
    %swap3A_230 = arith.constant 560 : index
    %swap3A_231 = tpu.vector_load %arg9[%swap3A_230] {strides = array<i32>} : memref<1024xf32, #tpu.memory_space<vmem>>, vector<16xf32>,
    %swap3A_232 = vector.shape_cast %swap3A_231 : vector<16xf32> to vector<16xf32>
    %swap3A_233 = vector.shape_cast %broadcast_in_dim3A_229 : vector<16xf32> to vector<16xf32>
    tpu.vector_store %arg9[%swap3A_230], %swap3A_233 {strides = array<i32>} : memref<1024xf32, #tpu.memory_space<vmem>>, vector<16xf32>,
    %broadcast_in_dim3A_234 = arith.constant 0.000000e+00 : f32
    %broadcast_in_dim3A_235 = vector.broadcast %broadcast_in_dim3A_234 : f32 to vector<16xf32>
    %swap3A_236 = arith.constant 576 : index
    %swap3A_237 = tpu.vector_load %arg9[%swap3A_236] {strides = array<i32>} : memref<1024xf32, #tpu.memory_space<vmem>>, vector<16xf32>,
    %swap3A_238 = vector.shape_cast %swap3A_237 : vector<16xf32> to vector<16xf32>
    %swap3A_239 = vector.shape_cast %broadcast_in_dim3A_235 : vector<16xf32> to vector<16xf32>
    tpu.vector_store %arg9[%swap3A_236], %swap3A_239 {strides = array<i32>} : memref<1024xf32, #tpu.memory_space<vmem>>, vector<16xf32>,
    %broadcast_in_dim3A_240 = arith.constant 0.000000e+00 : f32
    %broadcast_in_dim3A_241 = vector.broadcast %broadcast_in_dim3A_240 : f32 to vector<16xf32>
    %swap3A_242 = arith.constant 592 : index
    %swap3A_243 = tpu.vector_load %arg9[%swap3A_242] {strides = array<i32>} : memref<1024xf32, #tpu.memory_space<vmem>>, vector<16xf32>,
    %swap3A_244 = vector.shape_cast %swap3A_243 : vector<16xf32> to vector<16xf32>
    %swap3A_245 = vector.shape_cast %broadcast_in_dim3A_241 : vector<16xf32> to vector<16xf32>
    tpu.vector_store %arg9[%swap3A_242], %swap3A_245 {strides = array<i32>} : memref<1024xf32, #tpu.memory_space<vmem>>, vector<16xf32>,
    %broadcast_in_dim3A_246 = arith.constant 0.000000e+00 : f32
    %broadcast_in_dim3A_247 = vector.broadcast %broadcast_in_dim3A_246 : f32 to vector<16xf32>
    %swap3A_248 = arith.constant 608 : index
    %swap3A_249 = tpu.vector_load %arg9[%swap3A_248] {strides = array<i32>} : memref<1024xf32, #tpu.memory_space<vmem>>, vector<16xf32>,
    %swap3A_250 = vector.shape_cast %swap3A_249 : vector<16xf32> to vector<16xf32>
    %swap3A_251 = vector.shape_cast %broadcast_in_dim3A_247 : vector<16xf32> to vector<16xf32>
    tpu.vector_store %arg9[%swap3A_248], %swap3A_251 {strides = array<i32>} : memref<1024xf32, #tpu.memory_space<vmem>>, vector<16xf32>,
    %broadcast_in_dim3A_252 = arith.constant 0.000000e+00 : f32
    %broadcast_in_dim3A_253 = vector.broadcast %broadcast_in_dim3A_252 : f32 to vector<16xf32>
    %swap3A_254 = arith.constant 624 : index
    %swap3A_255 = tpu.vector_load %arg9[%swap3A_254] {strides = array<i32>} : memref<1024xf32, #tpu.memory_space<vmem>>, vector<16xf32>,
    %swap3A_256 = vector.shape_cast %swap3A_255 : vector<16xf32> to vector<16xf32>
    %swap3A_257 = vector.shape_cast %broadcast_in_dim3A_253 : vector<16xf32> to vector<16xf32>
    tpu.vector_store %arg9[%swap3A_254], %swap3A_257 {strides = array<i32>} : memref<1024xf32, #tpu.memory_space<vmem>>, vector<16xf32>,
    %broadcast_in_dim3A_258 = arith.constant 0.000000e+00 : f32
    %broadcast_in_dim3A_259 = vector.broadcast %broadcast_in_dim3A_258 : f32 to vector<16xf32>
    %swap3A_260 = arith.constant 640 : index
    %swap3A_261 = tpu.vector_load %arg9[%swap3A_260] {strides = array<i32>} : memref<1024xf32, #tpu.memory_space<vmem>>, vector<16xf32>,
    %swap3A_262 = vector.shape_cast %swap3A_261 : vector<16xf32> to vector<16xf32>
    %swap3A_263 = vector.shape_cast %broadcast_in_dim3A_259 : vector<16xf32> to vector<16xf32>
    tpu.vector_store %arg9[%swap3A_260], %swap3A_263 {strides = array<i32>} : memref<1024xf32, #tpu.memory_space<vmem>>, vector<16xf32>,
    %broadcast_in_dim3A_264 = arith.constant 0.000000e+00 : f32
    %broadcast_in_dim3A_265 = vector.broadcast %broadcast_in_dim3A_264 : f32 to vector<16xf32>
    %swap3A_266 = arith.constant 656 : index
    %swap3A_267 = tpu.vector_load %arg9[%swap3A_266] {strides = array<i32>} : memref<1024xf32, #tpu.memory_space<vmem>>, vector<16xf32>,
    %swap3A_268 = vector.shape_cast %swap3A_267 : vector<16xf32> to vector<16xf32>
    %swap3A_269 = vector.shape_cast %broadcast_in_dim3A_265 : vector<16xf32> to vector<16xf32>
    tpu.vector_store %arg9[%swap3A_266], %swap3A_269 {strides = array<i32>} : memref<1024xf32, #tpu.memory_space<vmem>>, vector<16xf32>,
    %broadcast_in_dim3A_270 = arith.constant 0.000000e+00 : f32
    %broadcast_in_dim3A_271 = vector.broadcast %broadcast_in_dim3A_270 : f32 to vector<16xf32>
    %swap3A_272 = arith.constant 672 : index
    %swap3A_273 = tpu.vector_load %arg9[%swap3A_272] {strides = array<i32>} : memref<1024xf32, #tpu.memory_space<vmem>>, vector<16xf32>,
    %swap3A_274 = vector.shape_cast %swap3A_273 : vector<16xf32> to vector<16xf32>
    %swap3A_275 = vector.shape_cast %broadcast_in_dim3A_271 : vector<16xf32> to vector<16xf32>
    tpu.vector_store %arg9[%swap3A_272], %swap3A_275 {strides = array<i32>} : memref<1024xf32, #tpu.memory_space<vmem>>, vector<16xf32>,
    %broadcast_in_dim3A_276 = arith.constant 0.000000e+00 : f32
    %broadcast_in_dim3A_277 = vector.broadcast %broadcast_in_dim3A_276 : f32 to vector<16xf32>
    %swap3A_278 = arith.constant 688 : index
    %swap3A_279 = tpu.vector_load %arg9[%swap3A_278] {strides = array<i32>} : memref<1024xf32, #tpu.memory_space<vmem>>, vector<16xf32>,
    %swap3A_280 = vector.shape_cast %swap3A_279 : vector<16xf32> to vector<16xf32>
    %swap3A_281 = vector.shape_cast %broadcast_in_dim3A_277 : vector<16xf32> to vector<16xf32>
    tpu.vector_store %arg9[%swap3A_278], %swap3A_281 {strides = array<i32>} : memref<1024xf32, #tpu.memory_space<vmem>>, vector<16xf32>,
    %broadcast_in_dim3A_282 = arith.constant 0.000000e+00 : f32
    %broadcast_in_dim3A_283 = vector.broadcast %broadcast_in_dim3A_282 : f32 to vector<16xf32>
    %swap3A_284 = arith.constant 704 : index
    %swap3A_285 = tpu.vector_load %arg9[%swap3A_284] {strides = array<i32>} : memref<1024xf32, #tpu.memory_space<vmem>>, vector<16xf32>,
    %swap3A_286 = vector.shape_cast %swap3A_285 : vector<16xf32> to vector<16xf32>
    %swap3A_287 = vector.shape_cast %broadcast_in_dim3A_283 : vector<16xf32> to vector<16xf32>
    tpu.vector_store %arg9[%swap3A_284], %swap3A_287 {strides = array<i32>} : memref<1024xf32, #tpu.memory_space<vmem>>, vector<16xf32>,
    %broadcast_in_dim3A_288 = arith.constant 0.000000e+00 : f32
    %broadcast_in_dim3A_289 = vector.broadcast %broadcast_in_dim3A_288 : f32 to vector<16xf32>
    %swap3A_290 = arith.constant 720 : index
    %swap3A_291 = tpu.vector_load %arg9[%swap3A_290] {strides = array<i32>} : memref<1024xf32, #tpu.memory_space<vmem>>, vector<16xf32>,
    %swap3A_292 = vector.shape_cast %swap3A_291 : vector<16xf32> to vector<16xf32>
    %swap3A_293 = vector.shape_cast %broadcast_in_dim3A_289 : vector<16xf32> to vector<16xf32>
    tpu.vector_store %arg9[%swap3A_290], %swap3A_293 {strides = array<i32>} : memref<1024xf32, #tpu.memory_space<vmem>>, vector<16xf32>,
    %broadcast_in_dim3A_294 = arith.constant 0.000000e+00 : f32
    %broadcast_in_dim3A_295 = vector.broadcast %broadcast_in_dim3A_294 : f32 to vector<16xf32>
    %swap3A_296 = arith.constant 736 : index
    %swap3A_297 = tpu.vector_load %arg9[%swap3A_296] {strides = array<i32>} : memref<1024xf32, #tpu.memory_space<vmem>>, vector<16xf32>,
    %swap3A_298 = vector.shape_cast %swap3A_297 : vector<16xf32> to vector<16xf32>
    %swap3A_299 = vector.shape_cast %broadcast_in_dim3A_295 : vector<16xf32> to vector<16xf32>
    tpu.vector_store %arg9[%swap3A_296], %swap3A_299 {strides = array<i32>} : memref<1024xf32, #tpu.memory_space<vmem>>, vector<16xf32>,
    %broadcast_in_dim3A_300 = arith.constant 0.000000e+00 : f32
    %broadcast_in_dim3A_301 = vector.broadcast %broadcast_in_dim3A_300 : f32 to vector<16xf32>
    %swap3A_302 = arith.constant 752 : index
    %swap3A_303 = tpu.vector_load %arg9[%swap3A_302] {strides = array<i32>} : memref<1024xf32, #tpu.memory_space<vmem>>, vector<16xf32>,
    %swap3A_304 = vector.shape_cast %swap3A_303 : vector<16xf32> to vector<16xf32>
    %swap3A_305 = vector.shape_cast %broadcast_in_dim3A_301 : vector<16xf32> to vector<16xf32>
    tpu.vector_store %arg9[%swap3A_302], %swap3A_305 {strides = array<i32>} : memref<1024xf32, #tpu.memory_space<vmem>>, vector<16xf32>,
    %broadcast_in_dim3A_306 = arith.constant 0.000000e+00 : f32
    %broadcast_in_dim3A_307 = vector.broadcast %broadcast_in_dim3A_306 : f32 to vector<16xf32>
    %swap3A_308 = arith.constant 768 : index
    %swap3A_309 = tpu.vector_load %arg9[%swap3A_308] {strides = array<i32>} : memref<1024xf32, #tpu.memory_space<vmem>>, vector<16xf32>,
    %swap3A_310 = vector.shape_cast %swap3A_309 : vector<16xf32> to vector<16xf32>
    %swap3A_311 = vector.shape_cast %broadcast_in_dim3A_307 : vector<16xf32> to vector<16xf32>
    tpu.vector_store %arg9[%swap3A_308], %swap3A_311 {strides = array<i32>} : memref<1024xf32, #tpu.memory_space<vmem>>, vector<16xf32>,
    %broadcast_in_dim3A_312 = arith.constant 0.000000e+00 : f32
    %broadcast_in_dim3A_313 = vector.broadcast %broadcast_in_dim3A_312 : f32 to vector<16xf32>
    %swap3A_314 = arith.constant 784 : index
    %swap3A_315 = tpu.vector_load %arg9[%swap3A_314] {strides = array<i32>} : memref<1024xf32, #tpu.memory_space<vmem>>, vector<16xf32>,
    %swap3A_316 = vector.shape_cast %swap3A_315 : vector<16xf32> to vector<16xf32>
    %swap3A_317 = vector.shape_cast %broadcast_in_dim3A_313 : vector<16xf32> to vector<16xf32>
    tpu.vector_store %arg9[%swap3A_314], %swap3A_317 {strides = array<i32>} : memref<1024xf32, #tpu.memory_space<vmem>>, vector<16xf32>,
    %broadcast_in_dim3A_318 = arith.constant 0.000000e+00 : f32
    %broadcast_in_dim3A_319 = vector.broadcast %broadcast_in_dim3A_318 : f32 to vector<16xf32>
    %swap3A_320 = arith.constant 800 : index
    %swap3A_321 = tpu.vector_load %arg9[%swap3A_320] {strides = array<i32>} : memref<1024xf32, #tpu.memory_space<vmem>>, vector<16xf32>,
    %swap3A_322 = vector.shape_cast %swap3A_321 : vector<16xf32> to vector<16xf32>
    %swap3A_323 = vector.shape_cast %broadcast_in_dim3A_319 : vector<16xf32> to vector<16xf32>
    tpu.vector_store %arg9[%swap3A_320], %swap3A_323 {strides = array<i32>} : memref<1024xf32, #tpu.memory_space<vmem>>, vector<16xf32>,
    %broadcast_in_dim3A_324 = arith.constant 0.000000e+00 : f32
    %broadcast_in_dim3A_325 = vector.broadcast %broadcast_in_dim3A_324 : f32 to vector<16xf32>
    %swap3A_326 = arith.constant 816 : index
    %swap3A_327 = tpu.vector_load %arg9[%swap3A_326] {strides = array<i32>} : memref<1024xf32, #tpu.memory_space<vmem>>, vector<16xf32>,
    %swap3A_328 = vector.shape_cast %swap3A_327 : vector<16xf32> to vector<16xf32>
    %swap3A_329 = vector.shape_cast %broadcast_in_dim3A_325 : vector<16xf32> to vector<16xf32>
    tpu.vector_store %arg9[%swap3A_326], %swap3A_329 {strides = array<i32>} : memref<1024xf32, #tpu.memory_space<vmem>>, vector<16xf32>,
    %broadcast_in_dim3A_330 = arith.constant 0.000000e+00 : f32
    %broadcast_in_dim3A_331 = vector.broadcast %broadcast_in_dim3A_330 : f32 to vector<16xf32>
    %swap3A_332 = arith.constant 832 : index
    %swap3A_333 = tpu.vector_load %arg9[%swap3A_332] {strides = array<i32>} : memref<1024xf32, #tpu.memory_space<vmem>>, vector<16xf32>,
    %swap3A_334 = vector.shape_cast %swap3A_333 : vector<16xf32> to vector<16xf32>
    %swap3A_335 = vector.shape_cast %broadcast_in_dim3A_331 : vector<16xf32> to vector<16xf32>
    tpu.vector_store %arg9[%swap3A_332], %swap3A_335 {strides = array<i32>} : memref<1024xf32, #tpu.memory_space<vmem>>, vector<16xf32>,
    %broadcast_in_dim3A_336 = arith.constant 0.000000e+00 : f32
    %broadcast_in_dim3A_337 = vector.broadcast %broadcast_in_dim3A_336 : f32 to vector<16xf32>
    %swap3A_338 = arith.constant 848 : index
    %swap3A_339 = tpu.vector_load %arg9[%swap3A_338] {strides = array<i32>} : memref<1024xf32, #tpu.memory_space<vmem>>, vector<16xf32>,
    %swap3A_340 = vector.shape_cast %swap3A_339 : vector<16xf32> to vector<16xf32>
    %swap3A_341 = vector.shape_cast %broadcast_in_dim3A_337 : vector<16xf32> to vector<16xf32>
    tpu.vector_store %arg9[%swap3A_338], %swap3A_341 {strides = array<i32>} : memref<1024xf32, #tpu.memory_space<vmem>>, vector<16xf32>,
    %broadcast_in_dim3A_342 = arith.constant 0.000000e+00 : f32
    %broadcast_in_dim3A_343 = vector.broadcast %broadcast_in_dim3A_342 : f32 to vector<16xf32>
    %swap3A_344 = arith.constant 864 : index
    %swap3A_345 = tpu.vector_load %arg9[%swap3A_344] {strides = array<i32>} : memref<1024xf32, #tpu.memory_space<vmem>>, vector<16xf32>,
    %swap3A_346 = vector.shape_cast %swap3A_345 : vector<16xf32> to vector<16xf32>
    %swap3A_347 = vector.shape_cast %broadcast_in_dim3A_343 : vector<16xf32> to vector<16xf32>
    tpu.vector_store %arg9[%swap3A_344], %swap3A_347 {strides = array<i32>} : memref<1024xf32, #tpu.memory_space<vmem>>, vector<16xf32>,
    %broadcast_in_dim3A_348 = arith.constant 0.000000e+00 : f32
    %broadcast_in_dim3A_349 = vector.broadcast %broadcast_in_dim3A_348 : f32 to vector<16xf32>
    %swap3A_350 = arith.constant 880 : index
    %swap3A_351 = tpu.vector_load %arg9[%swap3A_350] {strides = array<i32>} : memref<1024xf32, #tpu.memory_space<vmem>>, vector<16xf32>,
    %swap3A_352 = vector.shape_cast %swap3A_351 : vector<16xf32> to vector<16xf32>
    %swap3A_353 = vector.shape_cast %broadcast_in_dim3A_349 : vector<16xf32> to vector<16xf32>
    tpu.vector_store %arg9[%swap3A_350], %swap3A_353 {strides = array<i32>} : memref<1024xf32, #tpu.memory_space<vmem>>, vector<16xf32>,
    %broadcast_in_dim3A_354 = arith.constant 0.000000e+00 : f32
    %broadcast_in_dim3A_355 = vector.broadcast %broadcast_in_dim3A_354 : f32 to vector<16xf32>
    %swap3A_356 = arith.constant 896 : index
    %swap3A_357 = tpu.vector_load %arg9[%swap3A_356] {strides = array<i32>} : memref<1024xf32, #tpu.memory_space<vmem>>, vector<16xf32>,
    %swap3A_358 = vector.shape_cast %swap3A_357 : vector<16xf32> to vector<16xf32>
    %swap3A_359 = vector.shape_cast %broadcast_in_dim3A_355 : vector<16xf32> to vector<16xf32>
    tpu.vector_store %arg9[%swap3A_356], %swap3A_359 {strides = array<i32>} : memref<1024xf32, #tpu.memory_space<vmem>>, vector<16xf32>,
    %broadcast_in_dim3A_360 = arith.constant 0.000000e+00 : f32
    %broadcast_in_dim3A_361 = vector.broadcast %broadcast_in_dim3A_360 : f32 to vector<16xf32>
    %swap3A_362 = arith.constant 912 : index
    %swap3A_363 = tpu.vector_load %arg9[%swap3A_362] {strides = array<i32>} : memref<1024xf32, #tpu.memory_space<vmem>>, vector<16xf32>,
    %swap3A_364 = vector.shape_cast %swap3A_363 : vector<16xf32> to vector<16xf32>
    %swap3A_365 = vector.shape_cast %broadcast_in_dim3A_361 : vector<16xf32> to vector<16xf32>
    tpu.vector_store %arg9[%swap3A_362], %swap3A_365 {strides = array<i32>} : memref<1024xf32, #tpu.memory_space<vmem>>, vector<16xf32>,
    %broadcast_in_dim3A_366 = arith.constant 0.000000e+00 : f32
    %broadcast_in_dim3A_367 = vector.broadcast %broadcast_in_dim3A_366 : f32 to vector<16xf32>
    %swap3A_368 = arith.constant 928 : index
    %swap3A_369 = tpu.vector_load %arg9[%swap3A_368] {strides = array<i32>} : memref<1024xf32, #tpu.memory_space<vmem>>, vector<16xf32>,
    %swap3A_370 = vector.shape_cast %swap3A_369 : vector<16xf32> to vector<16xf32>
    %swap3A_371 = vector.shape_cast %broadcast_in_dim3A_367 : vector<16xf32> to vector<16xf32>
    tpu.vector_store %arg9[%swap3A_368], %swap3A_371 {strides = array<i32>} : memref<1024xf32, #tpu.memory_space<vmem>>, vector<16xf32>,
    %broadcast_in_dim3A_372 = arith.constant 0.000000e+00 : f32
    %broadcast_in_dim3A_373 = vector.broadcast %broadcast_in_dim3A_372 : f32 to vector<16xf32>
    %swap3A_374 = arith.constant 944 : index
    %swap3A_375 = tpu.vector_load %arg9[%swap3A_374] {strides = array<i32>} : memref<1024xf32, #tpu.memory_space<vmem>>, vector<16xf32>,
    %swap3A_376 = vector.shape_cast %swap3A_375 : vector<16xf32> to vector<16xf32>
    %swap3A_377 = vector.shape_cast %broadcast_in_dim3A_373 : vector<16xf32> to vector<16xf32>
    tpu.vector_store %arg9[%swap3A_374], %swap3A_377 {strides = array<i32>} : memref<1024xf32, #tpu.memory_space<vmem>>, vector<16xf32>,
    %broadcast_in_dim3A_378 = arith.constant 0.000000e+00 : f32
    %broadcast_in_dim3A_379 = vector.broadcast %broadcast_in_dim3A_378 : f32 to vector<16xf32>
    %swap3A_380 = arith.constant 960 : index
    %swap3A_381 = tpu.vector_load %arg9[%swap3A_380] {strides = array<i32>} : memref<1024xf32, #tpu.memory_space<vmem>>, vector<16xf32>,
    %swap3A_382 = vector.shape_cast %swap3A_381 : vector<16xf32> to vector<16xf32>
    %swap3A_383 = vector.shape_cast %broadcast_in_dim3A_379 : vector<16xf32> to vector<16xf32>
    tpu.vector_store %arg9[%swap3A_380], %swap3A_383 {strides = array<i32>} : memref<1024xf32, #tpu.memory_space<vmem>>, vector<16xf32>,
    %broadcast_in_dim3A_384 = arith.constant 0.000000e+00 : f32
    %broadcast_in_dim3A_385 = vector.broadcast %broadcast_in_dim3A_384 : f32 to vector<16xf32>
    %swap3A_386 = arith.constant 976 : index
    %swap3A_387 = tpu.vector_load %arg9[%swap3A_386] {strides = array<i32>} : memref<1024xf32, #tpu.memory_space<vmem>>, vector<16xf32>,
    %swap3A_388 = vector.shape_cast %swap3A_387 : vector<16xf32> to vector<16xf32>
    %swap3A_389 = vector.shape_cast %broadcast_in_dim3A_385 : vector<16xf32> to vector<16xf32>
    tpu.vector_store %arg9[%swap3A_386], %swap3A_389 {strides = array<i32>} : memref<1024xf32, #tpu.memory_space<vmem>>, vector<16xf32>,
    %broadcast_in_dim3A_390 = arith.constant 0.000000e+00 : f32
    %broadcast_in_dim3A_391 = vector.broadcast %broadcast_in_dim3A_390 : f32 to vector<16xf32>
    %swap3A_392 = arith.constant 992 : index
    %swap3A_393 = tpu.vector_load %arg9[%swap3A_392] {strides = array<i32>} : memref<1024xf32, #tpu.memory_space<vmem>>, vector<16xf32>,
    %swap3A_394 = vector.shape_cast %swap3A_393 : vector<16xf32> to vector<16xf32>
    %swap3A_395 = vector.shape_cast %broadcast_in_dim3A_391 : vector<16xf32> to vector<16xf32>
    tpu.vector_store %arg9[%swap3A_392], %swap3A_395 {strides = array<i32>} : memref<1024xf32, #tpu.memory_space<vmem>>, vector<16xf32>,
    %broadcast_in_dim3A_396 = arith.constant 0.000000e+00 : f32
    %broadcast_in_dim3A_397 = vector.broadcast %broadcast_in_dim3A_396 : f32 to vector<16xf32>
    %swap3A_398 = arith.constant 1008 : index
    %swap3A_399 = tpu.vector_load %arg9[%swap3A_398] {strides = array<i32>} : memref<1024xf32, #tpu.memory_space<vmem>>, vector<16xf32>,
    %swap3A_400 = vector.shape_cast %swap3A_399 : vector<16xf32> to vector<16xf32>
    %swap3A_401 = vector.shape_cast %broadcast_in_dim3A_397 : vector<16xf32> to vector<16xf32>
    tpu.vector_store %arg9[%swap3A_398], %swap3A_401 {strides = array<i32>} : memref<1024xf32, #tpu.memory_space<vmem>>, vector<16xf32>,
    %broadcast_in_dim3A_402 = arith.constant 1.000000e+00 : f32
    %broadcast_in_dim3A_403 = vector.broadcast %broadcast_in_dim3A_402 : f32 to vector<16xf32>
    %swap3A_404 = arith.constant 0 : index
    %swap3A_405 = tpu.vector_load %arg8[%swap3A_404] {strides = array<i32>} : memref<128xf32, #tpu.memory_space<vmem>>, vector<16xf32>,
    %swap3A_406 = vector.shape_cast %swap3A_405 : vector<16xf32> to vector<16xf32>
    %swap3A_407 = vector.shape_cast %broadcast_in_dim3A_403 : vector<16xf32> to vector<16xf32>
    tpu.vector_store %arg8[%swap3A_404], %swap3A_407 {strides = array<i32>} : memref<128xf32, #tpu.memory_space<vmem>>, vector<16xf32>,
    %broadcast_in_dim3A_408 = arith.constant 1.000000e+00 : f32
    %broadcast_in_dim3A_409 = vector.broadcast %broadcast_in_dim3A_408 : f32 to vector<16xf32>
    %swap3A_410 = arith.constant 16 : index
    %swap3A_411 = tpu.vector_load %arg8[%swap3A_410] {strides = array<i32>} : memref<128xf32, #tpu.memory_space<vmem>>, vector<16xf32>,
    %swap3A_412 = vector.shape_cast %swap3A_411 : vector<16xf32> to vector<16xf32>
    %swap3A_413 = vector.shape_cast %broadcast_in_dim3A_409 : vector<16xf32> to vector<16xf32>
    tpu.vector_store %arg8[%swap3A_410], %swap3A_413 {strides = array<i32>} : memref<128xf32, #tpu.memory_space<vmem>>, vector<16xf32>,
    %broadcast_in_dim3A_414 = arith.constant 1.000000e+00 : f32
    %broadcast_in_dim3A_415 = vector.broadcast %broadcast_in_dim3A_414 : f32 to vector<16xf32>
    %swap3A_416 = arith.constant 32 : index
    %swap3A_417 = tpu.vector_load %arg8[%swap3A_416] {strides = array<i32>} : memref<128xf32, #tpu.memory_space<vmem>>, vector<16xf32>,
    %swap3A_418 = vector.shape_cast %swap3A_417 : vector<16xf32> to vector<16xf32>
    %swap3A_419 = vector.shape_cast %broadcast_in_dim3A_415 : vector<16xf32> to vector<16xf32>
    tpu.vector_store %arg8[%swap3A_416], %swap3A_419 {strides = array<i32>} : memref<128xf32, #tpu.memory_space<vmem>>, vector<16xf32>,
    %broadcast_in_dim3A_420 = arith.constant 1.000000e+00 : f32
    %broadcast_in_dim3A_421 = vector.broadcast %broadcast_in_dim3A_420 : f32 to vector<16xf32>
    %swap3A_422 = arith.constant 48 : index
    %swap3A_423 = tpu.vector_load %arg8[%swap3A_422] {strides = array<i32>} : memref<128xf32, #tpu.memory_space<vmem>>, vector<16xf32>,
    %swap3A_424 = vector.shape_cast %swap3A_423 : vector<16xf32> to vector<16xf32>
    %swap3A_425 = vector.shape_cast %broadcast_in_dim3A_421 : vector<16xf32> to vector<16xf32>
    tpu.vector_store %arg8[%swap3A_422], %swap3A_425 {strides = array<i32>} : memref<128xf32, #tpu.memory_space<vmem>>, vector<16xf32>,
    %broadcast_in_dim3A_426 = arith.constant 1.000000e+00 : f32
    %broadcast_in_dim3A_427 = vector.broadcast %broadcast_in_dim3A_426 : f32 to vector<16xf32>
    %swap3A_428 = arith.constant 64 : index
    %swap3A_429 = tpu.vector_load %arg8[%swap3A_428] {strides = array<i32>} : memref<128xf32, #tpu.memory_space<vmem>>, vector<16xf32>,
    %swap3A_430 = vector.shape_cast %swap3A_429 : vector<16xf32> to vector<16xf32>
    %swap3A_431 = vector.shape_cast %broadcast_in_dim3A_427 : vector<16xf32> to vector<16xf32>
    tpu.vector_store %arg8[%swap3A_428], %swap3A_431 {strides = array<i32>} : memref<128xf32, #tpu.memory_space<vmem>>, vector<16xf32>,
    %broadcast_in_dim3A_432 = arith.constant 1.000000e+00 : f32
    %broadcast_in_dim3A_433 = vector.broadcast %broadcast_in_dim3A_432 : f32 to vector<16xf32>
    %swap3A_434 = arith.constant 80 : index
    %swap3A_435 = tpu.vector_load %arg8[%swap3A_434] {strides = array<i32>} : memref<128xf32, #tpu.memory_space<vmem>>, vector<16xf32>,
    %swap3A_436 = vector.shape_cast %swap3A_435 : vector<16xf32> to vector<16xf32>
    %swap3A_437 = vector.shape_cast %broadcast_in_dim3A_433 : vector<16xf32> to vector<16xf32>
    tpu.vector_store %arg8[%swap3A_434], %swap3A_437 {strides = array<i32>} : memref<128xf32, #tpu.memory_space<vmem>>, vector<16xf32>,
    %broadcast_in_dim3A_438 = arith.constant 1.000000e+00 : f32
    %broadcast_in_dim3A_439 = vector.broadcast %broadcast_in_dim3A_438 : f32 to vector<16xf32>
    %swap3A_440 = arith.constant 96 : index
    %swap3A_441 = tpu.vector_load %arg8[%swap3A_440] {strides = array<i32>} : memref<128xf32, #tpu.memory_space<vmem>>, vector<16xf32>,
    %swap3A_442 = vector.shape_cast %swap3A_441 : vector<16xf32> to vector<16xf32>
    %swap3A_443 = vector.shape_cast %broadcast_in_dim3A_439 : vector<16xf32> to vector<16xf32>
    tpu.vector_store %arg8[%swap3A_440], %swap3A_443 {strides = array<i32>} : memref<128xf32, #tpu.memory_space<vmem>>, vector<16xf32>,
    %broadcast_in_dim3A_444 = arith.constant 1.000000e+00 : f32
    %broadcast_in_dim3A_445 = vector.broadcast %broadcast_in_dim3A_444 : f32 to vector<16xf32>
    %swap3A_446 = arith.constant 112 : index
    %swap3A_447 = tpu.vector_load %arg8[%swap3A_446] {strides = array<i32>} : memref<128xf32, #tpu.memory_space<vmem>>, vector<16xf32>,
    %swap3A_448 = vector.shape_cast %swap3A_447 : vector<16xf32> to vector<16xf32>
    %swap3A_449 = vector.shape_cast %broadcast_in_dim3A_445 : vector<16xf32> to vector<16xf32>
    tpu.vector_store %arg8[%swap3A_446], %swap3A_449 {strides = array<i32>} : memref<128xf32, #tpu.memory_space<vmem>>, vector<16xf32>,
    %eq3A = arith.constant 0 : i32
    %eq3A_450 = arith.cmpi eq, %arg1, %eq3A : i32
    %convert_element_type3A = arith.extui %eq3A_450 : i1 to i32
    %cond3A = arith.constant 0 : i32
    %cond3A_451 = arith.cmpi ne, %convert_element_type3A, %cond3A : i32
    scf.if %cond3A_451 {
      "tpu.region"() ({
        %run_scoped3A = tpu.sem_alloc : memref<!tpu.dma_semaphore, #tpu.memory_space<semaphore_mem>>
        tpu.enqueue_dma source(%arg9 : memref<1024xf32, #tpu.memory_space<vmem>>) target(%arg10 : memref<1024xf32, #tpu.memory_space<vmem_shared>>) target_semaphore(%run_scoped3A : memref<!tpu.dma_semaphore, #tpu.memory_space<semaphore_mem>>)
        tpu.wait_dma2 semaphore(%run_scoped3A : memref<!tpu.dma_semaphore, #tpu.memory_space<semaphore_mem>>) src(%arg9 : memref<1024xf32, #tpu.memory_space<vmem>>) dst(%arg10 : memref<1024xf32, #tpu.memory_space<vmem_shared>>)
        tpu.yield
      }) : () -> ()
    } else {
    }
    %barrier3A = arith.constant 0 : index
    tpu.barrier barrier_id(%barrier3A)
    %dma_start3A_452 = arith.constant 0 : i32
    %dma_start3A_453 = arith.constant 0 : i32
    %dma_start3A_454 = tpu.memref_slice %arg6[%dma_start3A_452, %dma_start3A_453] : memref<2x128xi32, #tpu.memory_space<vmem>> -> memref<1x128xi32, #tpu.memory_space<vmem>>
    %dma_start3A_455 = tpu.memref_squeeze %dma_start3A_454 : memref<1x128xi32, #tpu.memory_space<vmem>> -> memref<128xi32, #tpu.memory_space<vmem>>
    %dma_start3A_456 = arith.constant 0 : i32
    %dma_start3A_457 = tpu.memref_slice %arg10[%dma_start3A_456] : memref<1024xf32, #tpu.memory_space<vmem_shared>> -> memref<1024xf32, #tpu.memory_space<vmem_shared>>
    tpu.enqueue_indirect_dma source(%arg8 : memref<128xf32, #tpu.memory_space<vmem>>) target(%dma_start3A_457 : memref<1024xf32, #tpu.memory_space<vmem_shared>>) offsets(%dma_start3A_455 : memref<128xi32, #tpu.memory_space<vmem>>) semaphore(%arg13 : memref<!tpu.dma_semaphore, #tpu.memory_space<semaphore_mem>>) {add = true}
    %dma_start3A_458 = arith.constant 1 : i32
    %dma_start3A_459 = arith.constant 0 : i32
    %dma_start3A_460 = tpu.memref_slice %arg6[%dma_start3A_458, %dma_start3A_459] : memref<2x128xi32, #tpu.memory_space<vmem>> -> memref<1x128xi32, #tpu.memory_space<vmem>>
    %dma_start3A_461 = tpu.memref_squeeze %dma_start3A_460 : memref<1x128xi32, #tpu.memory_space<vmem>> -> memref<128xi32, #tpu.memory_space<vmem>>
    %dma_start3A_462 = arith.constant 0 : i32
    %dma_start3A_463 = tpu.memref_slice %arg10[%dma_start3A_462] : memref<1024xf32, #tpu.memory_space<vmem_shared>> -> memref<1024xf32, #tpu.memory_space<vmem_shared>>
    tpu.enqueue_indirect_dma source(%arg8 : memref<128xf32, #tpu.memory_space<vmem>>) target(%dma_start3A_463 : memref<1024xf32, #tpu.memory_space<vmem_shared>>) offsets(%dma_start3A_461 : memref<128xi32, #tpu.memory_space<vmem>>) semaphore(%arg13 : memref<!tpu.dma_semaphore, #tpu.memory_space<semaphore_mem>>) {add = true}
    %dma_wait3A = arith.constant 0 : i32
    %dma_wait3A_464 = arith.constant 0 : i32
    %dma_wait3A_465 = arith.constant 0 : i32
    %dma_wait3A_466 = tpu.memref_slice %arg7[%dma_wait3A_464, %dma_wait3A_465] : memref<256x128xf32, #tpu.memory_space<vmem>> -> memref<128x128xf32, #tpu.memory_space<vmem>>
    %dma_wait3A_467 = arith.constant 0 : i32
    %dma_wait3A_468 = tpu.memref_slice %arg6[%dma_wait3A, %dma_wait3A_467] : memref<2x128xi32, #tpu.memory_space<vmem>> -> memref<1x128xi32, #tpu.memory_space<vmem>>
    %dma_wait3A_469 = tpu.memref_squeeze %dma_wait3A_468 : memref<1x128xi32, #tpu.memory_space<vmem>> -> memref<128xi32, #tpu.memory_space<vmem>>
    %dma_wait3A_470 = arith.constant 0 : i32
    %dma_wait3A_471 = arith.constant 0 : i32
    %dma_wait3A_472 = tpu.memref_slice %arg3[%dma_wait3A_470, %dma_wait3A_471] : memref<1024x128xf32, #tpu.memory_space<hbm>> -> memref<1024x128xf32, #tpu.memory_space<hbm>>
    tpu.wait_indirect_dma semaphore(%arg11 : memref<!tpu.dma_semaphore, #tpu.memory_space<semaphore_mem>>) src(%dma_wait3A_472 : memref<1024x128xf32, #tpu.memory_space<hbm>>) dst(%dma_wait3A_466 : memref<128x128xf32, #tpu.memory_space<vmem>>)
    %mul3A_473 = arith.constant 256 : i32
    %mul3A_474 = arith.muli %add3A, %mul3A_473 : i32
    %add3A_475 = arith.constant 0 : i32
    %add3A_476 = arith.addi %mul3A_474, %add3A_475 : i32
    %dma_start3A_477 = arith.constant 0 : i32
    %dma_start3A_478 = arith.constant 0 : i32
    %dma_start3A_479 = tpu.memref_slice %arg7[%dma_start3A_477, %dma_start3A_478] : memref<256x128xf32, #tpu.memory_space<vmem>> -> memref<128x128xf32, #tpu.memory_space<vmem>>
    %dma_start3A_480 = arith.constant 0 : i32
    %dma_start3A_481 = tpu.memref_slice %arg4[%add3A_476, %dma_start3A_480] : memref<8192x128xf32, #tpu.memory_space<hbm>> -> memref<128x128xf32, #tpu.memory_space<hbm>>
    %dma_start3A_482 = arith.constant 0 : i32
    %dma_start3A_483 = tpu.memref_slice %arg4[%add3A_476, %dma_start3A_482] : memref<8192x128xf32, #tpu.memory_space<hbm>> -> memref<128x128xf32, #tpu.memory_space<hbm>>
    %dma_start3A_484 = arith.constant 0 : i32
    %dma_start3A_485 = arith.constant 0 : i32
    %dma_start3A_486 = tpu.memref_slice %arg7[%dma_start3A_484, %dma_start3A_485] : memref<256x128xf32, #tpu.memory_space<vmem>> -> memref<128x128xf32, #tpu.memory_space<vmem>>
    tpu.enqueue_dma source(%dma_start3A_486 : memref<128x128xf32, #tpu.memory_space<vmem>>) target(%dma_start3A_483 : memref<128x128xf32, #tpu.memory_space<hbm>>) target_semaphore(%arg12 : memref<!tpu.dma_semaphore, #tpu.memory_space<semaphore_mem>>)
    %dma_wait3A_487 = arith.constant 1 : i32
    %dma_wait3A_488 = arith.constant 128 : i32
    %dma_wait3A_489 = arith.constant 0 : i32
    %dma_wait3A_490 = tpu.memref_slice %arg7[%dma_wait3A_488, %dma_wait3A_489] : memref<256x128xf32, #tpu.memory_space<vmem>> -> memref<128x128xf32, #tpu.memory_space<vmem>>
    %dma_wait3A_491 = arith.constant 0 : i32
    %dma_wait3A_492 = tpu.memref_slice %arg6[%dma_wait3A_487, %dma_wait3A_491] : memref<2x128xi32, #tpu.memory_space<vmem>> -> memref<1x128xi32, #tpu.memory_space<vmem>>
    %dma_wait3A_493 = tpu.memref_squeeze %dma_wait3A_492 : memref<1x128xi32, #tpu.memory_space<vmem>> -> memref<128xi32, #tpu.memory_space<vmem>>
    %dma_wait3A_494 = arith.constant 0 : i32
    %dma_wait3A_495 = arith.constant 0 : i32
    %dma_wait3A_496 = tpu.memref_slice %arg3[%dma_wait3A_494, %dma_wait3A_495] : memref<1024x128xf32, #tpu.memory_space<hbm>> -> memref<1024x128xf32, #tpu.memory_space<hbm>>
    tpu.wait_indirect_dma semaphore(%arg11 : memref<!tpu.dma_semaphore, #tpu.memory_space<semaphore_mem>>) src(%dma_wait3A_496 : memref<1024x128xf32, #tpu.memory_space<hbm>>) dst(%dma_wait3A_490 : memref<128x128xf32, #tpu.memory_space<vmem>>)
    %mul3A_497 = arith.constant 256 : i32
    %mul3A_498 = arith.muli %add3A, %mul3A_497 : i32
    %add3A_499 = arith.constant 128 : i32
    %add3A_500 = arith.addi %mul3A_498, %add3A_499 : i32
    %dma_start3A_501 = arith.constant 128 : i32
    %dma_start3A_502 = arith.constant 0 : i32
    %dma_start3A_503 = tpu.memref_slice %arg7[%dma_start3A_501, %dma_start3A_502] : memref<256x128xf32, #tpu.memory_space<vmem>> -> memref<128x128xf32, #tpu.memory_space<vmem>>
    %dma_start3A_504 = arith.constant 0 : i32
    %dma_start3A_505 = tpu.memref_slice %arg4[%add3A_500, %dma_start3A_504] : memref<8192x128xf32, #tpu.memory_space<hbm>> -> memref<128x128xf32, #tpu.memory_space<hbm>>
    %dma_start3A_506 = arith.constant 0 : i32
    %dma_start3A_507 = tpu.memref_slice %arg4[%add3A_500, %dma_start3A_506] : memref<8192x128xf32, #tpu.memory_space<hbm>> -> memref<128x128xf32, #tpu.memory_space<hbm>>
    %dma_start3A_508 = arith.constant 128 : i32
    %dma_start3A_509 = arith.constant 0 : i32
    %dma_start3A_510 = tpu.memref_slice %arg7[%dma_start3A_508, %dma_start3A_509] : memref<256x128xf32, #tpu.memory_space<vmem>> -> memref<128x128xf32, #tpu.memory_space<vmem>>
    tpu.enqueue_dma source(%dma_start3A_510 : memref<128x128xf32, #tpu.memory_space<vmem>>) target(%dma_start3A_507 : memref<128x128xf32, #tpu.memory_space<hbm>>) target_semaphore(%arg12 : memref<!tpu.dma_semaphore, #tpu.memory_space<semaphore_mem>>)
    %dma_wait3A_511 = arith.constant 0 : i32
    %dma_wait3A_512 = arith.constant 0 : i32
    %dma_wait3A_513 = tpu.memref_slice %arg6[%dma_wait3A_511, %dma_wait3A_512] : memref<2x128xi32, #tpu.memory_space<vmem>> -> memref<1x128xi32, #tpu.memory_space<vmem>>
    %dma_wait3A_514 = tpu.memref_squeeze %dma_wait3A_513 : memref<1x128xi32, #tpu.memory_space<vmem>> -> memref<128xi32, #tpu.memory_space<vmem>>
    %dma_wait3A_515 = arith.constant 0 : i32
    %dma_wait3A_516 = tpu.memref_slice %arg10[%dma_wait3A_515] : memref<1024xf32, #tpu.memory_space<vmem_shared>> -> memref<1024xf32, #tpu.memory_space<vmem_shared>>
    tpu.wait_indirect_dma semaphore(%arg13 : memref<!tpu.dma_semaphore, #tpu.memory_space<semaphore_mem>>) src(%arg8 : memref<128xf32, #tpu.memory_space<vmem>>) dst(%dma_wait3A_516 : memref<1024xf32, #tpu.memory_space<vmem_shared>>)
    %dma_wait3A_517 = arith.constant 1 : i32
    %dma_wait3A_518 = arith.constant 0 : i32
    %dma_wait3A_519 = tpu.memref_slice %arg6[%dma_wait3A_517, %dma_wait3A_518] : memref<2x128xi32, #tpu.memory_space<vmem>> -> memref<1x128xi32, #tpu.memory_space<vmem>>
    %dma_wait3A_520 = tpu.memref_squeeze %dma_wait3A_519 : memref<1x128xi32, #tpu.memory_space<vmem>> -> memref<128xi32, #tpu.memory_space<vmem>>
    %dma_wait3A_521 = arith.constant 0 : i32
    %dma_wait3A_522 = tpu.memref_slice %arg10[%dma_wait3A_521] : memref<1024xf32, #tpu.memory_space<vmem_shared>> -> memref<1024xf32, #tpu.memory_space<vmem_shared>>
    tpu.wait_indirect_dma semaphore(%arg13 : memref<!tpu.dma_semaphore, #tpu.memory_space<semaphore_mem>>) src(%arg8 : memref<128xf32, #tpu.memory_space<vmem>>) dst(%dma_wait3A_522 : memref<1024xf32, #tpu.memory_space<vmem_shared>>)
    %dma_wait3A_523 = arith.constant 0 : i32
    %dma_wait3A_524 = arith.constant 0 : i32
    %dma_wait3A_525 = tpu.memref_slice %arg7[%dma_wait3A_523, %dma_wait3A_524] : memref<256x128xf32, #tpu.memory_space<vmem>> -> memref<128x128xf32, #tpu.memory_space<vmem>>
    %dma_wait3A_526 = arith.constant 0 : i32
    %dma_wait3A_527 = tpu.memref_slice %arg4[%add3A_476, %dma_wait3A_526] : memref<8192x128xf32, #tpu.memory_space<hbm>> -> memref<128x128xf32, #tpu.memory_space<hbm>>
    %dma_wait3A_528 = arith.constant 0 : i32
    %dma_wait3A_529 = tpu.memref_slice %arg4[%add3A_476, %dma_wait3A_528] : memref<8192x128xf32, #tpu.memory_space<hbm>> -> memref<128x128xf32, #tpu.memory_space<hbm>>
    %dma_wait3A_530 = arith.constant 0 : i32
    %dma_wait3A_531 = arith.constant 0 : i32
    %dma_wait3A_532 = tpu.memref_slice %arg7[%dma_wait3A_530, %dma_wait3A_531] : memref<256x128xf32, #tpu.memory_space<vmem>> -> memref<128x128xf32, #tpu.memory_space<vmem>>
    tpu.wait_dma2 semaphore(%arg12 : memref<!tpu.dma_semaphore, #tpu.memory_space<semaphore_mem>>) src(%dma_wait3A_532 : memref<128x128xf32, #tpu.memory_space<vmem>>) dst(%dma_wait3A_529 : memref<128x128xf32, #tpu.memory_space<hbm>>)
    %dma_wait3A_533 = arith.constant 128 : i32
    %dma_wait3A_534 = arith.constant 0 : i32
    %dma_wait3A_535 = tpu.memref_slice %arg7[%dma_wait3A_533, %dma_wait3A_534] : memref<256x128xf32, #tpu.memory_space<vmem>> -> memref<128x128xf32, #tpu.memory_space<vmem>>
    %dma_wait3A_536 = arith.constant 0 : i32
    %dma_wait3A_537 = tpu.memref_slice %arg4[%add3A_500, %dma_wait3A_536] : memref<8192x128xf32, #tpu.memory_space<hbm>> -> memref<128x128xf32, #tpu.memory_space<hbm>>
    %dma_wait3A_538 = arith.constant 0 : i32
    %dma_wait3A_539 = tpu.memref_slice %arg4[%add3A_500, %dma_wait3A_538] : memref<8192x128xf32, #tpu.memory_space<hbm>> -> memref<128x128xf32, #tpu.memory_space<hbm>>
    %dma_wait3A_540 = arith.constant 128 : i32
    %dma_wait3A_541 = arith.constant 0 : i32
    %dma_wait3A_542 = tpu.memref_slice %arg7[%dma_wait3A_540, %dma_wait3A_541] : memref<256x128xf32, #tpu.memory_space<vmem>> -> memref<128x128xf32, #tpu.memory_space<vmem>>
    tpu.wait_dma2 semaphore(%arg12 : memref<!tpu.dma_semaphore, #tpu.memory_space<semaphore_mem>>) src(%dma_wait3A_542 : memref<128x128xf32, #tpu.memory_space<vmem>>) dst(%dma_wait3A_539 : memref<128x128xf32, #tpu.memory_space<hbm>>)
    %barrier3A_543 = arith.constant 0 : index
    tpu.barrier barrier_id(%barrier3A_543)
    %eq3A_544 = arith.constant 0 : i32
    %eq3A_545 = arith.cmpi eq, %arg1, %eq3A_544 : i32
    %convert_element_type3A_546 = arith.extui %eq3A_545 : i1 to i32
    %cond3A_547 = arith.constant 0 : i32
    %cond3A_548 = arith.cmpi ne, %convert_element_type3A_546, %cond3A_547 : i32
    scf.if %cond3A_548 {
      "tpu.region"() ({
        %run_scoped3A = tpu.sem_alloc : memref<!tpu.dma_semaphore, #tpu.memory_space<semaphore_mem>>
        %dma_start3A_549 = arith.constant 0 : i32
        %dma_start3A_550 = tpu.memref_slice %arg5[%arg0, %dma_start3A_549] : memref<2x1024xf32, #tpu.memory_space<hbm>> -> memref<1x1024xf32, #tpu.memory_space<hbm>>
        %dma_start3A_551 = tpu.memref_squeeze %dma_start3A_550 : memref<1x1024xf32, #tpu.memory_space<hbm>> -> memref<1024xf32, #tpu.memory_space<hbm>>
        tpu.enqueue_dma source(%arg10 : memref<1024xf32, #tpu.memory_space<vmem_shared>>) target(%dma_start3A_551 : memref<1024xf32, #tpu.memory_space<hbm>>) target_semaphore(%run_scoped3A : memref<!tpu.dma_semaphore, #tpu.memory_space<semaphore_mem>>)
        %dma_wait3A_552 = arith.constant 0 : i32
        %dma_wait3A_553 = tpu.memref_slice %arg5[%arg0, %dma_wait3A_552] : memref<2x1024xf32, #tpu.memory_space<hbm>> -> memref<1x1024xf32, #tpu.memory_space<hbm>>
        %dma_wait3A_554 = tpu.memref_squeeze %dma_wait3A_553 : memref<1x1024xf32, #tpu.memory_space<hbm>> -> memref<1024xf32, #tpu.memory_space<hbm>>
        tpu.wait_dma2 semaphore(%run_scoped3A : memref<!tpu.dma_semaphore, #tpu.memory_space<semaphore_mem>>) src(%arg10 : memref<1024xf32, #tpu.memory_space<vmem_shared>>) dst(%dma_wait3A_554 : memref<1024xf32, #tpu.memory_space<hbm>>)
        tpu.yield
      }) : () -> ()
    } else {
    }
    return
  }
}

#map = affine_map<(d0, d1) -> (0, 0, 0)>
#map1 = affine_map<(d0, d1) -> (0, 0)>
module attributes {stable_mosaic.version = 14 : i64} {
  func.func @_sc_body(%arg0: i32, %arg1: i32, %arg2: memref<32x2x128xi32, #tpu.memory_space<hbm>>, %arg3: memref<1024x128xf32, #tpu.memory_space<hbm>>, %arg4: memref<8192x128xf32, #tpu.memory_space<hbm>>, %arg5: memref<2x1024xf32, #tpu.memory_space<hbm>>, %arg6: memref<2x128xi32, #tpu.memory_space<vmem>>, %arg7: memref<256x128xf32, #tpu.memory_space<vmem>>, %arg8: memref<128xf32, #tpu.memory_space<vmem>>, %arg9: memref<1024xf32, #tpu.memory_space<vmem>>, %arg10: memref<1024xf32, #tpu.memory_space<vmem_shared>>, %arg11: memref<!tpu.dma_semaphore, #tpu.memory_space<semaphore_mem>>, %arg12: memref<!tpu.dma_semaphore, #tpu.memory_space<semaphore_mem>>, %arg13: memref<!tpu.dma_semaphore, #tpu.memory_space<semaphore_mem>>) attributes {dimension_semantics = [#tpu.dimension_semantics<core_parallel>, #tpu.dimension_semantics<subcore_parallel>], iteration_bounds = array<i64: 2, 16>, scalar_prefetch = 0 : i64, scratch_operands = 8 : i64, tpu.core_type = #tpu.core_type<sc_vector_subcore>, window_params = [{transform_indices = #map}, {transform_indices = #map1}, {transform_indices = #map1}, {transform_indices = #map1}]} {
    %mul3A = arith.constant 2 : i32
    %mul3A_0 = arith.muli %arg1, %mul3A : i32
    %add3A = arith.addi %mul3A_0, %arg0 : i32
    "tpu.region"() ({
      %run_scoped3A = tpu.sem_alloc : memref<!tpu.dma_semaphore, #tpu.memory_space<semaphore_mem>>
      %dma_start3A_549 = arith.constant 0 : i32
      %dma_start3A_550 = arith.constant 0 : i32
      %dma_start3A_551 = tpu.memref_slice %arg2[%add3A, %dma_start3A_549, %dma_start3A_550] : memref<32x2x128xi32, #tpu.memory_space<hbm>> -> memref<1x2x128xi32, #tpu.memory_space<hbm>>
      %dma_start3A_552 = tpu.memref_squeeze %dma_start3A_551 : memref<1x2x128xi32, #tpu.memory_space<hbm>> -> memref<2x128xi32, #tpu.memory_space<hbm>>
      %dma_start3A_553 = arith.constant 0 : i32
      %dma_start3A_554 = arith.constant 0 : i32
      %dma_start3A_555 = tpu.memref_slice %arg2[%add3A, %dma_start3A_553, %dma_start3A_554] : memref<32x2x128xi32, #tpu.memory_space<hbm>> -> memref<1x2x128xi32, #tpu.memory_space<hbm>>
      %dma_start3A_556 = tpu.memref_squeeze %dma_start3A_555 : memref<1x2x128xi32, #tpu.memory_space<hbm>> -> memref<2x128xi32, #tpu.memory_space<hbm>>
      tpu.enqueue_dma source(%dma_start3A_556 : memref<2x128xi32, #tpu.memory_space<hbm>>) target(%arg6 : memref<2x128xi32, #tpu.memory_space<vmem>>) target_semaphore(%run_scoped3A : memref<!tpu.dma_semaphore, #tpu.memory_space<semaphore_mem>>)
      %dma_wait3A_557 = arith.constant 0 : i32
      %dma_wait3A_558 = arith.constant 0 : i32
      %dma_wait3A_559 = tpu.memref_slice %arg2[%add3A, %dma_wait3A_557, %dma_wait3A_558] : memref<32x2x128xi32, #tpu.memory_space<hbm>> -> memref<1x2x128xi32, #tpu.memory_space<hbm>>
      %dma_wait3A_560 = tpu.memref_squeeze %dma_wait3A_559 : memref<1x2x128xi32, #tpu.memory_space<hbm>> -> memref<2x128xi32, #tpu.memory_space<hbm>>
      %dma_wait3A_561 = arith.constant 0 : i32
      %dma_wait3A_562 = arith.constant 0 : i32
      %dma_wait3A_563 = tpu.memref_slice %arg2[%add3A, %dma_wait3A_561, %dma_wait3A_562] : memref<32x2x128xi32, #tpu.memory_space<hbm>> -> memref<1x2x128xi32, #tpu.memory_space<hbm>>
      %dma_wait3A_564 = tpu.memref_squeeze %dma_wait3A_563 : memref<1x2x128xi32, #tpu.memory_space<hbm>> -> memref<2x128xi32, #tpu.memory_space<hbm>>
      tpu.wait_dma2 semaphore(%run_scoped3A : memref<!tpu.dma_semaphore, #tpu.memory_space<semaphore_mem>>) src(%dma_wait3A_564 : memref<2x128xi32, #tpu.memory_space<hbm>>) dst(%arg6 : memref<2x128xi32, #tpu.memory_space<vmem>>)
      tpu.yield
    }) : () -> ()
    %dma_start3A = arith.constant 0 : i32
    %dma_start3A_1 = arith.constant 0 : i32
    %dma_start3A_2 = arith.constant 0 : i32
    %dma_start3A_3 = tpu.memref_slice %arg7[%dma_start3A_1, %dma_start3A_2] : memref<256x128xf32, #tpu.memory_space<vmem>> -> memref<128x128xf32, #tpu.memory_space<vmem>>
    %dma_start3A_4 = arith.constant 0 : i32
    %dma_start3A_5 = tpu.memref_slice %arg6[%dma_start3A, %dma_start3A_4] : memref<2x128xi32, #tpu.memory_space<vmem>> -> memref<1x128xi32, #tpu.memory_space<vmem>>
    %dma_start3A_6 = tpu.memref_squeeze %dma_start3A_5 : memref<1x128xi32, #tpu.memory_space<vmem>> -> memref<128xi32, #tpu.memory_space<vmem>>
    %dma_start3A_7 = arith.constant 0 : i32
    %dma_start3A_8 = arith.constant 0 : i32
    %dma_start3A_9 = tpu.memref_slice %arg3[%dma_start3A_7, %dma_start3A_8] : memref<1024x128xf32, #tpu.memory_space<hbm>> -> memref<1024x128xf32, #tpu.memory_space<hbm>>
    tpu.enqueue_indirect_dma source(%dma_start3A_9 : memref<1024x128xf32, #tpu.memory_space<hbm>>) target(%dma_start3A_3 : memref<128x128xf32, #tpu.memory_space<vmem>>) offsets(%dma_start3A_6 : memref<128xi32, #tpu.memory_space<vmem>>) semaphore(%arg11 : memref<!tpu.dma_semaphore, #tpu.memory_space<semaphore_mem>>)
    %dma_start3A_10 = arith.constant 1 : i32
    %dma_start3A_11 = arith.constant 128 : i32
    %dma_start3A_12 = arith.constant 0 : i32
    %dma_start3A_13 = tpu.memref_slice %arg7[%dma_start3A_11, %dma_start3A_12] : memref<256x128xf32, #tpu.memory_space<vmem>> -> memref<128x128xf32, #tpu.memory_space<vmem>>
    %dma_start3A_14 = arith.constant 0 : i32
    %dma_start3A_15 = tpu.memref_slice %arg6[%dma_start3A_10, %dma_start3A_14] : memref<2x128xi32, #tpu.memory_space<vmem>> -> memref<1x128xi32, #tpu.memory_space<vmem>>
    %dma_start3A_16 = tpu.memref_squeeze %dma_start3A_15 : memref<1x128xi32, #tpu.memory_space<vmem>> -> memref<128xi32, #tpu.memory_space<vmem>>
    %dma_start3A_17 = arith.constant 0 : i32
    %dma_start3A_18 = arith.constant 0 : i32
    %dma_start3A_19 = tpu.memref_slice %arg3[%dma_start3A_17, %dma_start3A_18] : memref<1024x128xf32, #tpu.memory_space<hbm>> -> memref<1024x128xf32, #tpu.memory_space<hbm>>
    tpu.enqueue_indirect_dma source(%dma_start3A_19 : memref<1024x128xf32, #tpu.memory_space<hbm>>) target(%dma_start3A_13 : memref<128x128xf32, #tpu.memory_space<vmem>>) offsets(%dma_start3A_16 : memref<128xi32, #tpu.memory_space<vmem>>) semaphore(%arg11 : memref<!tpu.dma_semaphore, #tpu.memory_space<semaphore_mem>>)
    %broadcast_in_dim3A = arith.constant 0.000000e+00 : f32
    %broadcast_in_dim3A_20 = vector.broadcast %broadcast_in_dim3A : f32 to vector<16xf32>
    %swap3A = arith.constant 0 : index
    %swap3A_21 = tpu.vector_load %arg9[%swap3A] {strides = array<i32>} : memref<1024xf32, #tpu.memory_space<vmem>>, vector<16xf32>,
    %swap3A_22 = vector.shape_cast %swap3A_21 : vector<16xf32> to vector<16xf32>
    %swap3A_23 = vector.shape_cast %broadcast_in_dim3A_20 : vector<16xf32> to vector<16xf32>
    tpu.vector_store %arg9[%swap3A], %swap3A_23 {strides = array<i32>} : memref<1024xf32, #tpu.memory_space<vmem>>, vector<16xf32>,
    %broadcast_in_dim3A_24 = arith.constant 0.000000e+00 : f32
    %broadcast_in_dim3A_25 = vector.broadcast %broadcast_in_dim3A_24 : f32 to vector<16xf32>
    %swap3A_26 = arith.constant 16 : index
    %swap3A_27 = tpu.vector_load %arg9[%swap3A_26] {strides = array<i32>} : memref<1024xf32, #tpu.memory_space<vmem>>, vector<16xf32>,
    %swap3A_28 = vector.shape_cast %swap3A_27 : vector<16xf32> to vector<16xf32>
    %swap3A_29 = vector.shape_cast %broadcast_in_dim3A_25 : vector<16xf32> to vector<16xf32>
    tpu.vector_store %arg9[%swap3A_26], %swap3A_29 {strides = array<i32>} : memref<1024xf32, #tpu.memory_space<vmem>>, vector<16xf32>,
    %broadcast_in_dim3A_30 = arith.constant 0.000000e+00 : f32
    %broadcast_in_dim3A_31 = vector.broadcast %broadcast_in_dim3A_30 : f32 to vector<16xf32>
    %swap3A_32 = arith.constant 32 : index
    %swap3A_33 = tpu.vector_load %arg9[%swap3A_32] {strides = array<i32>} : memref<1024xf32, #tpu.memory_space<vmem>>, vector<16xf32>,
    %swap3A_34 = vector.shape_cast %swap3A_33 : vector<16xf32> to vector<16xf32>
    %swap3A_35 = vector.shape_cast %broadcast_in_dim3A_31 : vector<16xf32> to vector<16xf32>
    tpu.vector_store %arg9[%swap3A_32], %swap3A_35 {strides = array<i32>} : memref<1024xf32, #tpu.memory_space<vmem>>, vector<16xf32>,
    %broadcast_in_dim3A_36 = arith.constant 0.000000e+00 : f32
    %broadcast_in_dim3A_37 = vector.broadcast %broadcast_in_dim3A_36 : f32 to vector<16xf32>
    %swap3A_38 = arith.constant 48 : index
    %swap3A_39 = tpu.vector_load %arg9[%swap3A_38] {strides = array<i32>} : memref<1024xf32, #tpu.memory_space<vmem>>, vector<16xf32>,
    %swap3A_40 = vector.shape_cast %swap3A_39 : vector<16xf32> to vector<16xf32>
    %swap3A_41 = vector.shape_cast %broadcast_in_dim3A_37 : vector<16xf32> to vector<16xf32>
    tpu.vector_store %arg9[%swap3A_38], %swap3A_41 {strides = array<i32>} : memref<1024xf32, #tpu.memory_space<vmem>>, vector<16xf32>,
    %broadcast_in_dim3A_42 = arith.constant 0.000000e+00 : f32
    %broadcast_in_dim3A_43 = vector.broadcast %broadcast_in_dim3A_42 : f32 to vector<16xf32>
    %swap3A_44 = arith.constant 64 : index
    %swap3A_45 = tpu.vector_load %arg9[%swap3A_44] {strides = array<i32>} : memref<1024xf32, #tpu.memory_space<vmem>>, vector<16xf32>,
    %swap3A_46 = vector.shape_cast %swap3A_45 : vector<16xf32> to vector<16xf32>
    %swap3A_47 = vector.shape_cast %broadcast_in_dim3A_43 : vector<16xf32> to vector<16xf32>
    tpu.vector_store %arg9[%swap3A_44], %swap3A_47 {strides = array<i32>} : memref<1024xf32, #tpu.memory_space<vmem>>, vector<16xf32>,
    %broadcast_in_dim3A_48 = arith.constant 0.000000e+00 : f32
    %broadcast_in_dim3A_49 = vector.broadcast %broadcast_in_dim3A_48 : f32 to vector<16xf32>
    %swap3A_50 = arith.constant 80 : index
    %swap3A_51 = tpu.vector_load %arg9[%swap3A_50] {strides = array<i32>} : memref<1024xf32, #tpu.memory_space<vmem>>, vector<16xf32>,
    %swap3A_52 = vector.shape_cast %swap3A_51 : vector<16xf32> to vector<16xf32>
    %swap3A_53 = vector.shape_cast %broadcast_in_dim3A_49 : vector<16xf32> to vector<16xf32>
    tpu.vector_store %arg9[%swap3A_50], %swap3A_53 {strides = array<i32>} : memref<1024xf32, #tpu.memory_space<vmem>>, vector<16xf32>,
    %broadcast_in_dim3A_54 = arith.constant 0.000000e+00 : f32
    %broadcast_in_dim3A_55 = vector.broadcast %broadcast_in_dim3A_54 : f32 to vector<16xf32>
    %swap3A_56 = arith.constant 96 : index
    %swap3A_57 = tpu.vector_load %arg9[%swap3A_56] {strides = array<i32>} : memref<1024xf32, #tpu.memory_space<vmem>>, vector<16xf32>,
    %swap3A_58 = vector.shape_cast %swap3A_57 : vector<16xf32> to vector<16xf32>
    %swap3A_59 = vector.shape_cast %broadcast_in_dim3A_55 : vector<16xf32> to vector<16xf32>
    tpu.vector_store %arg9[%swap3A_56], %swap3A_59 {strides = array<i32>} : memref<1024xf32, #tpu.memory_space<vmem>>, vector<16xf32>,
    %broadcast_in_dim3A_60 = arith.constant 0.000000e+00 : f32
    %broadcast_in_dim3A_61 = vector.broadcast %broadcast_in_dim3A_60 : f32 to vector<16xf32>
    %swap3A_62 = arith.constant 112 : index
    %swap3A_63 = tpu.vector_load %arg9[%swap3A_62] {strides = array<i32>} : memref<1024xf32, #tpu.memory_space<vmem>>, vector<16xf32>,
    %swap3A_64 = vector.shape_cast %swap3A_63 : vector<16xf32> to vector<16xf32>
    %swap3A_65 = vector.shape_cast %broadcast_in_dim3A_61 : vector<16xf32> to vector<16xf32>
    tpu.vector_store %arg9[%swap3A_62], %swap3A_65 {strides = array<i32>} : memref<1024xf32, #tpu.memory_space<vmem>>, vector<16xf32>,
    %broadcast_in_dim3A_66 = arith.constant 0.000000e+00 : f32
    %broadcast_in_dim3A_67 = vector.broadcast %broadcast_in_dim3A_66 : f32 to vector<16xf32>
    %swap3A_68 = arith.constant 128 : index
    %swap3A_69 = tpu.vector_load %arg9[%swap3A_68] {strides = array<i32>} : memref<1024xf32, #tpu.memory_space<vmem>>, vector<16xf32>,
    %swap3A_70 = vector.shape_cast %swap3A_69 : vector<16xf32> to vector<16xf32>
    %swap3A_71 = vector.shape_cast %broadcast_in_dim3A_67 : vector<16xf32> to vector<16xf32>
    tpu.vector_store %arg9[%swap3A_68], %swap3A_71 {strides = array<i32>} : memref<1024xf32, #tpu.memory_space<vmem>>, vector<16xf32>,
    %broadcast_in_dim3A_72 = arith.constant 0.000000e+00 : f32
    %broadcast_in_dim3A_73 = vector.broadcast %broadcast_in_dim3A_72 : f32 to vector<16xf32>
    %swap3A_74 = arith.constant 144 : index
    %swap3A_75 = tpu.vector_load %arg9[%swap3A_74] {strides = array<i32>} : memref<1024xf32, #tpu.memory_space<vmem>>, vector<16xf32>,
    %swap3A_76 = vector.shape_cast %swap3A_75 : vector<16xf32> to vector<16xf32>
    %swap3A_77 = vector.shape_cast %broadcast_in_dim3A_73 : vector<16xf32> to vector<16xf32>
    tpu.vector_store %arg9[%swap3A_74], %swap3A_77 {strides = array<i32>} : memref<1024xf32, #tpu.memory_space<vmem>>, vector<16xf32>,
    %broadcast_in_dim3A_78 = arith.constant 0.000000e+00 : f32
    %broadcast_in_dim3A_79 = vector.broadcast %broadcast_in_dim3A_78 : f32 to vector<16xf32>
    %swap3A_80 = arith.constant 160 : index
    %swap3A_81 = tpu.vector_load %arg9[%swap3A_80] {strides = array<i32>} : memref<1024xf32, #tpu.memory_space<vmem>>, vector<16xf32>,
    %swap3A_82 = vector.shape_cast %swap3A_81 : vector<16xf32> to vector<16xf32>
    %swap3A_83 = vector.shape_cast %broadcast_in_dim3A_79 : vector<16xf32> to vector<16xf32>
    tpu.vector_store %arg9[%swap3A_80], %swap3A_83 {strides = array<i32>} : memref<1024xf32, #tpu.memory_space<vmem>>, vector<16xf32>,
    %broadcast_in_dim3A_84 = arith.constant 0.000000e+00 : f32
    %broadcast_in_dim3A_85 = vector.broadcast %broadcast_in_dim3A_84 : f32 to vector<16xf32>
    %swap3A_86 = arith.constant 176 : index
    %swap3A_87 = tpu.vector_load %arg9[%swap3A_86] {strides = array<i32>} : memref<1024xf32, #tpu.memory_space<vmem>>, vector<16xf32>,
    %swap3A_88 = vector.shape_cast %swap3A_87 : vector<16xf32> to vector<16xf32>
    %swap3A_89 = vector.shape_cast %broadcast_in_dim3A_85 : vector<16xf32> to vector<16xf32>
    tpu.vector_store %arg9[%swap3A_86], %swap3A_89 {strides = array<i32>} : memref<1024xf32, #tpu.memory_space<vmem>>, vector<16xf32>,
    %broadcast_in_dim3A_90 = arith.constant 0.000000e+00 : f32
    %broadcast_in_dim3A_91 = vector.broadcast %broadcast_in_dim3A_90 : f32 to vector<16xf32>
    %swap3A_92 = arith.constant 192 : index
    %swap3A_93 = tpu.vector_load %arg9[%swap3A_92] {strides = array<i32>} : memref<1024xf32, #tpu.memory_space<vmem>>, vector<16xf32>,
    %swap3A_94 = vector.shape_cast %swap3A_93 : vector<16xf32> to vector<16xf32>
    %swap3A_95 = vector.shape_cast %broadcast_in_dim3A_91 : vector<16xf32> to vector<16xf32>
    tpu.vector_store %arg9[%swap3A_92], %swap3A_95 {strides = array<i32>} : memref<1024xf32, #tpu.memory_space<vmem>>, vector<16xf32>,
    %broadcast_in_dim3A_96 = arith.constant 0.000000e+00 : f32
    %broadcast_in_dim3A_97 = vector.broadcast %broadcast_in_dim3A_96 : f32 to vector<16xf32>
    %swap3A_98 = arith.constant 208 : index
    %swap3A_99 = tpu.vector_load %arg9[%swap3A_98] {strides = array<i32>} : memref<1024xf32, #tpu.memory_space<vmem>>, vector<16xf32>,
    %swap3A_100 = vector.shape_cast %swap3A_99 : vector<16xf32> to vector<16xf32>
    %swap3A_101 = vector.shape_cast %broadcast_in_dim3A_97 : vector<16xf32> to vector<16xf32>
    tpu.vector_store %arg9[%swap3A_98], %swap3A_101 {strides = array<i32>} : memref<1024xf32, #tpu.memory_space<vmem>>, vector<16xf32>,
    %broadcast_in_dim3A_102 = arith.constant 0.000000e+00 : f32
    %broadcast_in_dim3A_103 = vector.broadcast %broadcast_in_dim3A_102 : f32 to vector<16xf32>
    %swap3A_104 = arith.constant 224 : index
    %swap3A_105 = tpu.vector_load %arg9[%swap3A_104] {strides = array<i32>} : memref<1024xf32, #tpu.memory_space<vmem>>, vector<16xf32>,
    %swap3A_106 = vector.shape_cast %swap3A_105 : vector<16xf32> to vector<16xf32>
    %swap3A_107 = vector.shape_cast %broadcast_in_dim3A_103 : vector<16xf32> to vector<16xf32>
    tpu.vector_store %arg9[%swap3A_104], %swap3A_107 {strides = array<i32>} : memref<1024xf32, #tpu.memory_space<vmem>>, vector<16xf32>,
    %broadcast_in_dim3A_108 = arith.constant 0.000000e+00 : f32
    %broadcast_in_dim3A_109 = vector.broadcast %broadcast_in_dim3A_108 : f32 to vector<16xf32>
    %swap3A_110 = arith.constant 240 : index
    %swap3A_111 = tpu.vector_load %arg9[%swap3A_110] {strides = array<i32>} : memref<1024xf32, #tpu.memory_space<vmem>>, vector<16xf32>,
    %swap3A_112 = vector.shape_cast %swap3A_111 : vector<16xf32> to vector<16xf32>
    %swap3A_113 = vector.shape_cast %broadcast_in_dim3A_109 : vector<16xf32> to vector<16xf32>
    tpu.vector_store %arg9[%swap3A_110], %swap3A_113 {strides = array<i32>} : memref<1024xf32, #tpu.memory_space<vmem>>, vector<16xf32>,
    %broadcast_in_dim3A_114 = arith.constant 0.000000e+00 : f32
    %broadcast_in_dim3A_115 = vector.broadcast %broadcast_in_dim3A_114 : f32 to vector<16xf32>
    %swap3A_116 = arith.constant 256 : index
    %swap3A_117 = tpu.vector_load %arg9[%swap3A_116] {strides = array<i32>} : memref<1024xf32, #tpu.memory_space<vmem>>, vector<16xf32>,
    %swap3A_118 = vector.shape_cast %swap3A_117 : vector<16xf32> to vector<16xf32>
    %swap3A_119 = vector.shape_cast %broadcast_in_dim3A_115 : vector<16xf32> to vector<16xf32>
    tpu.vector_store %arg9[%swap3A_116], %swap3A_119 {strides = array<i32>} : memref<1024xf32, #tpu.memory_space<vmem>>, vector<16xf32>,
    %broadcast_in_dim3A_120 = arith.constant 0.000000e+00 : f32
    %broadcast_in_dim3A_121 = vector.broadcast %broadcast_in_dim3A_120 : f32 to vector<16xf32>
    %swap3A_122 = arith.constant 272 : index
    %swap3A_123 = tpu.vector_load %arg9[%swap3A_122] {strides = array<i32>} : memref<1024xf32, #tpu.memory_space<vmem>>, vector<16xf32>,
    %swap3A_124 = vector.shape_cast %swap3A_123 : vector<16xf32> to vector<16xf32>
    %swap3A_125 = vector.shape_cast %broadcast_in_dim3A_121 : vector<16xf32> to vector<16xf32>
    tpu.vector_store %arg9[%swap3A_122], %swap3A_125 {strides = array<i32>} : memref<1024xf32, #tpu.memory_space<vmem>>, vector<16xf32>,
    %broadcast_in_dim3A_126 = arith.constant 0.000000e+00 : f32
    %broadcast_in_dim3A_127 = vector.broadcast %broadcast_in_dim3A_126 : f32 to vector<16xf32>
    %swap3A_128 = arith.constant 288 : index
    %swap3A_129 = tpu.vector_load %arg9[%swap3A_128] {strides = array<i32>} : memref<1024xf32, #tpu.memory_space<vmem>>, vector<16xf32>,
    %swap3A_130 = vector.shape_cast %swap3A_129 : vector<16xf32> to vector<16xf32>
    %swap3A_131 = vector.shape_cast %broadcast_in_dim3A_127 : vector<16xf32> to vector<16xf32>
    tpu.vector_store %arg9[%swap3A_128], %swap3A_131 {strides = array<i32>} : memref<1024xf32, #tpu.memory_space<vmem>>, vector<16xf32>,
    %broadcast_in_dim3A_132 = arith.constant 0.000000e+00 : f32
    %broadcast_in_dim3A_133 = vector.broadcast %broadcast_in_dim3A_132 : f32 to vector<16xf32>
    %swap3A_134 = arith.constant 304 : index
    %swap3A_135 = tpu.vector_load %arg9[%swap3A_134] {strides = array<i32>} : memref<1024xf32, #tpu.memory_space<vmem>>, vector<16xf32>,
    %swap3A_136 = vector.shape_cast %swap3A_135 : vector<16xf32> to vector<16xf32>
    %swap3A_137 = vector.shape_cast %broadcast_in_dim3A_133 : vector<16xf32> to vector<16xf32>
    tpu.vector_store %arg9[%swap3A_134], %swap3A_137 {strides = array<i32>} : memref<1024xf32, #tpu.memory_space<vmem>>, vector<16xf32>,
    %broadcast_in_dim3A_138 = arith.constant 0.000000e+00 : f32
    %broadcast_in_dim3A_139 = vector.broadcast %broadcast_in_dim3A_138 : f32 to vector<16xf32>
    %swap3A_140 = arith.constant 320 : index
    %swap3A_141 = tpu.vector_load %arg9[%swap3A_140] {strides = array<i32>} : memref<1024xf32, #tpu.memory_space<vmem>>, vector<16xf32>,
    %swap3A_142 = vector.shape_cast %swap3A_141 : vector<16xf32> to vector<16xf32>
    %swap3A_143 = vector.shape_cast %broadcast_in_dim3A_139 : vector<16xf32> to vector<16xf32>
    tpu.vector_store %arg9[%swap3A_140], %swap3A_143 {strides = array<i32>} : memref<1024xf32, #tpu.memory_space<vmem>>, vector<16xf32>,
    %broadcast_in_dim3A_144 = arith.constant 0.000000e+00 : f32
    %broadcast_in_dim3A_145 = vector.broadcast %broadcast_in_dim3A_144 : f32 to vector<16xf32>
    %swap3A_146 = arith.constant 336 : index
    %swap3A_147 = tpu.vector_load %arg9[%swap3A_146] {strides = array<i32>} : memref<1024xf32, #tpu.memory_space<vmem>>, vector<16xf32>,
    %swap3A_148 = vector.shape_cast %swap3A_147 : vector<16xf32> to vector<16xf32>
    %swap3A_149 = vector.shape_cast %broadcast_in_dim3A_145 : vector<16xf32> to vector<16xf32>
    tpu.vector_store %arg9[%swap3A_146], %swap3A_149 {strides = array<i32>} : memref<1024xf32, #tpu.memory_space<vmem>>, vector<16xf32>,
    %broadcast_in_dim3A_150 = arith.constant 0.000000e+00 : f32
    %broadcast_in_dim3A_151 = vector.broadcast %broadcast_in_dim3A_150 : f32 to vector<16xf32>
    %swap3A_152 = arith.constant 352 : index
    %swap3A_153 = tpu.vector_load %arg9[%swap3A_152] {strides = array<i32>} : memref<1024xf32, #tpu.memory_space<vmem>>, vector<16xf32>,
    %swap3A_154 = vector.shape_cast %swap3A_153 : vector<16xf32> to vector<16xf32>
    %swap3A_155 = vector.shape_cast %broadcast_in_dim3A_151 : vector<16xf32> to vector<16xf32>
    tpu.vector_store %arg9[%swap3A_152], %swap3A_155 {strides = array<i32>} : memref<1024xf32, #tpu.memory_space<vmem>>, vector<16xf32>,
    %broadcast_in_dim3A_156 = arith.constant 0.000000e+00 : f32
    %broadcast_in_dim3A_157 = vector.broadcast %broadcast_in_dim3A_156 : f32 to vector<16xf32>
    %swap3A_158 = arith.constant 368 : index
    %swap3A_159 = tpu.vector_load %arg9[%swap3A_158] {strides = array<i32>} : memref<1024xf32, #tpu.memory_space<vmem>>, vector<16xf32>,
    %swap3A_160 = vector.shape_cast %swap3A_159 : vector<16xf32> to vector<16xf32>
    %swap3A_161 = vector.shape_cast %broadcast_in_dim3A_157 : vector<16xf32> to vector<16xf32>
    tpu.vector_store %arg9[%swap3A_158], %swap3A_161 {strides = array<i32>} : memref<1024xf32, #tpu.memory_space<vmem>>, vector<16xf32>,
    %broadcast_in_dim3A_162 = arith.constant 0.000000e+00 : f32
    %broadcast_in_dim3A_163 = vector.broadcast %broadcast_in_dim3A_162 : f32 to vector<16xf32>
    %swap3A_164 = arith.constant 384 : index
    %swap3A_165 = tpu.vector_load %arg9[%swap3A_164] {strides = array<i32>} : memref<1024xf32, #tpu.memory_space<vmem>>, vector<16xf32>,
    %swap3A_166 = vector.shape_cast %swap3A_165 : vector<16xf32> to vector<16xf32>
    %swap3A_167 = vector.shape_cast %broadcast_in_dim3A_163 : vector<16xf32> to vector<16xf32>
    tpu.vector_store %arg9[%swap3A_164], %swap3A_167 {strides = array<i32>} : memref<1024xf32, #tpu.memory_space<vmem>>, vector<16xf32>,
    %broadcast_in_dim3A_168 = arith.constant 0.000000e+00 : f32
    %broadcast_in_dim3A_169 = vector.broadcast %broadcast_in_dim3A_168 : f32 to vector<16xf32>
    %swap3A_170 = arith.constant 400 : index
    %swap3A_171 = tpu.vector_load %arg9[%swap3A_170] {strides = array<i32>} : memref<1024xf32, #tpu.memory_space<vmem>>, vector<16xf32>,
    %swap3A_172 = vector.shape_cast %swap3A_171 : vector<16xf32> to vector<16xf32>
    %swap3A_173 = vector.shape_cast %broadcast_in_dim3A_169 : vector<16xf32> to vector<16xf32>
    tpu.vector_store %arg9[%swap3A_170], %swap3A_173 {strides = array<i32>} : memref<1024xf32, #tpu.memory_space<vmem>>, vector<16xf32>,
    %broadcast_in_dim3A_174 = arith.constant 0.000000e+00 : f32
    %broadcast_in_dim3A_175 = vector.broadcast %broadcast_in_dim3A_174 : f32 to vector<16xf32>
    %swap3A_176 = arith.constant 416 : index
    %swap3A_177 = tpu.vector_load %arg9[%swap3A_176] {strides = array<i32>} : memref<1024xf32, #tpu.memory_space<vmem>>, vector<16xf32>,
    %swap3A_178 = vector.shape_cast %swap3A_177 : vector<16xf32> to vector<16xf32>
    %swap3A_179 = vector.shape_cast %broadcast_in_dim3A_175 : vector<16xf32> to vector<16xf32>
    tpu.vector_store %arg9[%swap3A_176], %swap3A_179 {strides = array<i32>} : memref<1024xf32, #tpu.memory_space<vmem>>, vector<16xf32>,
    %broadcast_in_dim3A_180 = arith.constant 0.000000e+00 : f32
    %broadcast_in_dim3A_181 = vector.broadcast %broadcast_in_dim3A_180 : f32 to vector<16xf32>
    %swap3A_182 = arith.constant 432 : index
    %swap3A_183 = tpu.vector_load %arg9[%swap3A_182] {strides = array<i32>} : memref<1024xf32, #tpu.memory_space<vmem>>, vector<16xf32>,
    %swap3A_184 = vector.shape_cast %swap3A_183 : vector<16xf32> to vector<16xf32>
    %swap3A_185 = vector.shape_cast %broadcast_in_dim3A_181 : vector<16xf32> to vector<16xf32>
    tpu.vector_store %arg9[%swap3A_182], %swap3A_185 {strides = array<i32>} : memref<1024xf32, #tpu.memory_space<vmem>>, vector<16xf32>,
    %broadcast_in_dim3A_186 = arith.constant 0.000000e+00 : f32
    %broadcast_in_dim3A_187 = vector.broadcast %broadcast_in_dim3A_186 : f32 to vector<16xf32>
    %swap3A_188 = arith.constant 448 : index
    %swap3A_189 = tpu.vector_load %arg9[%swap3A_188] {strides = array<i32>} : memref<1024xf32, #tpu.memory_space<vmem>>, vector<16xf32>,
    %swap3A_190 = vector.shape_cast %swap3A_189 : vector<16xf32> to vector<16xf32>
    %swap3A_191 = vector.shape_cast %broadcast_in_dim3A_187 : vector<16xf32> to vector<16xf32>
    tpu.vector_store %arg9[%swap3A_188], %swap3A_191 {strides = array<i32>} : memref<1024xf32, #tpu.memory_space<vmem>>, vector<16xf32>,
    %broadcast_in_dim3A_192 = arith.constant 0.000000e+00 : f32
    %broadcast_in_dim3A_193 = vector.broadcast %broadcast_in_dim3A_192 : f32 to vector<16xf32>
    %swap3A_194 = arith.constant 464 : index
    %swap3A_195 = tpu.vector_load %arg9[%swap3A_194] {strides = array<i32>} : memref<1024xf32, #tpu.memory_space<vmem>>, vector<16xf32>,
    %swap3A_196 = vector.shape_cast %swap3A_195 : vector<16xf32> to vector<16xf32>
    %swap3A_197 = vector.shape_cast %broadcast_in_dim3A_193 : vector<16xf32> to vector<16xf32>
    tpu.vector_store %arg9[%swap3A_194], %swap3A_197 {strides = array<i32>} : memref<1024xf32, #tpu.memory_space<vmem>>, vector<16xf32>,
    %broadcast_in_dim3A_198 = arith.constant 0.000000e+00 : f32
    %broadcast_in_dim3A_199 = vector.broadcast %broadcast_in_dim3A_198 : f32 to vector<16xf32>
    %swap3A_200 = arith.constant 480 : index
    %swap3A_201 = tpu.vector_load %arg9[%swap3A_200] {strides = array<i32>} : memref<1024xf32, #tpu.memory_space<vmem>>, vector<16xf32>,
    %swap3A_202 = vector.shape_cast %swap3A_201 : vector<16xf32> to vector<16xf32>
    %swap3A_203 = vector.shape_cast %broadcast_in_dim3A_199 : vector<16xf32> to vector<16xf32>
    tpu.vector_store %arg9[%swap3A_200], %swap3A_203 {strides = array<i32>} : memref<1024xf32, #tpu.memory_space<vmem>>, vector<16xf32>,
    %broadcast_in_dim3A_204 = arith.constant 0.000000e+00 : f32
    %broadcast_in_dim3A_205 = vector.broadcast %broadcast_in_dim3A_204 : f32 to vector<16xf32>
    %swap3A_206 = arith.constant 496 : index
    %swap3A_207 = tpu.vector_load %arg9[%swap3A_206] {strides = array<i32>} : memref<1024xf32, #tpu.memory_space<vmem>>, vector<16xf32>,
    %swap3A_208 = vector.shape_cast %swap3A_207 : vector<16xf32> to vector<16xf32>
    %swap3A_209 = vector.shape_cast %broadcast_in_dim3A_205 : vector<16xf32> to vector<16xf32>
    tpu.vector_store %arg9[%swap3A_206], %swap3A_209 {strides = array<i32>} : memref<1024xf32, #tpu.memory_space<vmem>>, vector<16xf32>,
    %broadcast_in_dim3A_210 = arith.constant 0.000000e+00 : f32
    %broadcast_in_dim3A_211 = vector.broadcast %broadcast_in_dim3A_210 : f32 to vector<16xf32>
    %swap3A_212 = arith.constant 512 : index
    %swap3A_213 = tpu.vector_load %arg9[%swap3A_212] {strides = array<i32>} : memref<1024xf32, #tpu.memory_space<vmem>>, vector<16xf32>,
    %swap3A_214 = vector.shape_cast %swap3A_213 : vector<16xf32> to vector<16xf32>
    %swap3A_215 = vector.shape_cast %broadcast_in_dim3A_211 : vector<16xf32> to vector<16xf32>
    tpu.vector_store %arg9[%swap3A_212], %swap3A_215 {strides = array<i32>} : memref<1024xf32, #tpu.memory_space<vmem>>, vector<16xf32>,
    %broadcast_in_dim3A_216 = arith.constant 0.000000e+00 : f32
    %broadcast_in_dim3A_217 = vector.broadcast %broadcast_in_dim3A_216 : f32 to vector<16xf32>
    %swap3A_218 = arith.constant 528 : index
    %swap3A_219 = tpu.vector_load %arg9[%swap3A_218] {strides = array<i32>} : memref<1024xf32, #tpu.memory_space<vmem>>, vector<16xf32>,
    %swap3A_220 = vector.shape_cast %swap3A_219 : vector<16xf32> to vector<16xf32>
    %swap3A_221 = vector.shape_cast %broadcast_in_dim3A_217 : vector<16xf32> to vector<16xf32>
    tpu.vector_store %arg9[%swap3A_218], %swap3A_221 {strides = array<i32>} : memref<1024xf32, #tpu.memory_space<vmem>>, vector<16xf32>,
    %broadcast_in_dim3A_222 = arith.constant 0.000000e+00 : f32
    %broadcast_in_dim3A_223 = vector.broadcast %broadcast_in_dim3A_222 : f32 to vector<16xf32>
    %swap3A_224 = arith.constant 544 : index
    %swap3A_225 = tpu.vector_load %arg9[%swap3A_224] {strides = array<i32>} : memref<1024xf32, #tpu.memory_space<vmem>>, vector<16xf32>,
    %swap3A_226 = vector.shape_cast %swap3A_225 : vector<16xf32> to vector<16xf32>
    %swap3A_227 = vector.shape_cast %broadcast_in_dim3A_223 : vector<16xf32> to vector<16xf32>
    tpu.vector_store %arg9[%swap3A_224], %swap3A_227 {strides = array<i32>} : memref<1024xf32, #tpu.memory_space<vmem>>, vector<16xf32>,
    %broadcast_in_dim3A_228 = arith.constant 0.000000e+00 : f32
    %broadcast_in_dim3A_229 = vector.broadcast %broadcast_in_dim3A_228 : f32 to vector<16xf32>
    %swap3A_230 = arith.constant 560 : index
    %swap3A_231 = tpu.vector_load %arg9[%swap3A_230] {strides = array<i32>} : memref<1024xf32, #tpu.memory_space<vmem>>, vector<16xf32>,
    %swap3A_232 = vector.shape_cast %swap3A_231 : vector<16xf32> to vector<16xf32>
    %swap3A_233 = vector.shape_cast %broadcast_in_dim3A_229 : vector<16xf32> to vector<16xf32>
    tpu.vector_store %arg9[%swap3A_230], %swap3A_233 {strides = array<i32>} : memref<1024xf32, #tpu.memory_space<vmem>>, vector<16xf32>,
    %broadcast_in_dim3A_234 = arith.constant 0.000000e+00 : f32
    %broadcast_in_dim3A_235 = vector.broadcast %broadcast_in_dim3A_234 : f32 to vector<16xf32>
    %swap3A_236 = arith.constant 576 : index
    %swap3A_237 = tpu.vector_load %arg9[%swap3A_236] {strides = array<i32>} : memref<1024xf32, #tpu.memory_space<vmem>>, vector<16xf32>,
    %swap3A_238 = vector.shape_cast %swap3A_237 : vector<16xf32> to vector<16xf32>
    %swap3A_239 = vector.shape_cast %broadcast_in_dim3A_235 : vector<16xf32> to vector<16xf32>
    tpu.vector_store %arg9[%swap3A_236], %swap3A_239 {strides = array<i32>} : memref<1024xf32, #tpu.memory_space<vmem>>, vector<16xf32>,
    %broadcast_in_dim3A_240 = arith.constant 0.000000e+00 : f32
    %broadcast_in_dim3A_241 = vector.broadcast %broadcast_in_dim3A_240 : f32 to vector<16xf32>
    %swap3A_242 = arith.constant 592 : index
    %swap3A_243 = tpu.vector_load %arg9[%swap3A_242] {strides = array<i32>} : memref<1024xf32, #tpu.memory_space<vmem>>, vector<16xf32>,
    %swap3A_244 = vector.shape_cast %swap3A_243 : vector<16xf32> to vector<16xf32>
    %swap3A_245 = vector.shape_cast %broadcast_in_dim3A_241 : vector<16xf32> to vector<16xf32>
    tpu.vector_store %arg9[%swap3A_242], %swap3A_245 {strides = array<i32>} : memref<1024xf32, #tpu.memory_space<vmem>>, vector<16xf32>,
    %broadcast_in_dim3A_246 = arith.constant 0.000000e+00 : f32
    %broadcast_in_dim3A_247 = vector.broadcast %broadcast_in_dim3A_246 : f32 to vector<16xf32>
    %swap3A_248 = arith.constant 608 : index
    %swap3A_249 = tpu.vector_load %arg9[%swap3A_248] {strides = array<i32>} : memref<1024xf32, #tpu.memory_space<vmem>>, vector<16xf32>,
    %swap3A_250 = vector.shape_cast %swap3A_249 : vector<16xf32> to vector<16xf32>
    %swap3A_251 = vector.shape_cast %broadcast_in_dim3A_247 : vector<16xf32> to vector<16xf32>
    tpu.vector_store %arg9[%swap3A_248], %swap3A_251 {strides = array<i32>} : memref<1024xf32, #tpu.memory_space<vmem>>, vector<16xf32>,
    %broadcast_in_dim3A_252 = arith.constant 0.000000e+00 : f32
    %broadcast_in_dim3A_253 = vector.broadcast %broadcast_in_dim3A_252 : f32 to vector<16xf32>
    %swap3A_254 = arith.constant 624 : index
    %swap3A_255 = tpu.vector_load %arg9[%swap3A_254] {strides = array<i32>} : memref<1024xf32, #tpu.memory_space<vmem>>, vector<16xf32>,
    %swap3A_256 = vector.shape_cast %swap3A_255 : vector<16xf32> to vector<16xf32>
    %swap3A_257 = vector.shape_cast %broadcast_in_dim3A_253 : vector<16xf32> to vector<16xf32>
    tpu.vector_store %arg9[%swap3A_254], %swap3A_257 {strides = array<i32>} : memref<1024xf32, #tpu.memory_space<vmem>>, vector<16xf32>,
    %broadcast_in_dim3A_258 = arith.constant 0.000000e+00 : f32
    %broadcast_in_dim3A_259 = vector.broadcast %broadcast_in_dim3A_258 : f32 to vector<16xf32>
    %swap3A_260 = arith.constant 640 : index
    %swap3A_261 = tpu.vector_load %arg9[%swap3A_260] {strides = array<i32>} : memref<1024xf32, #tpu.memory_space<vmem>>, vector<16xf32>,
    %swap3A_262 = vector.shape_cast %swap3A_261 : vector<16xf32> to vector<16xf32>
    %swap3A_263 = vector.shape_cast %broadcast_in_dim3A_259 : vector<16xf32> to vector<16xf32>
    tpu.vector_store %arg9[%swap3A_260], %swap3A_263 {strides = array<i32>} : memref<1024xf32, #tpu.memory_space<vmem>>, vector<16xf32>,
    %broadcast_in_dim3A_264 = arith.constant 0.000000e+00 : f32
    %broadcast_in_dim3A_265 = vector.broadcast %broadcast_in_dim3A_264 : f32 to vector<16xf32>
    %swap3A_266 = arith.constant 656 : index
    %swap3A_267 = tpu.vector_load %arg9[%swap3A_266] {strides = array<i32>} : memref<1024xf32, #tpu.memory_space<vmem>>, vector<16xf32>,
    %swap3A_268 = vector.shape_cast %swap3A_267 : vector<16xf32> to vector<16xf32>
    %swap3A_269 = vector.shape_cast %broadcast_in_dim3A_265 : vector<16xf32> to vector<16xf32>
    tpu.vector_store %arg9[%swap3A_266], %swap3A_269 {strides = array<i32>} : memref<1024xf32, #tpu.memory_space<vmem>>, vector<16xf32>,
    %broadcast_in_dim3A_270 = arith.constant 0.000000e+00 : f32
    %broadcast_in_dim3A_271 = vector.broadcast %broadcast_in_dim3A_270 : f32 to vector<16xf32>
    %swap3A_272 = arith.constant 672 : index
    %swap3A_273 = tpu.vector_load %arg9[%swap3A_272] {strides = array<i32>} : memref<1024xf32, #tpu.memory_space<vmem>>, vector<16xf32>,
    %swap3A_274 = vector.shape_cast %swap3A_273 : vector<16xf32> to vector<16xf32>
    %swap3A_275 = vector.shape_cast %broadcast_in_dim3A_271 : vector<16xf32> to vector<16xf32>
    tpu.vector_store %arg9[%swap3A_272], %swap3A_275 {strides = array<i32>} : memref<1024xf32, #tpu.memory_space<vmem>>, vector<16xf32>,
    %broadcast_in_dim3A_276 = arith.constant 0.000000e+00 : f32
    %broadcast_in_dim3A_277 = vector.broadcast %broadcast_in_dim3A_276 : f32 to vector<16xf32>
    %swap3A_278 = arith.constant 688 : index
    %swap3A_279 = tpu.vector_load %arg9[%swap3A_278] {strides = array<i32>} : memref<1024xf32, #tpu.memory_space<vmem>>, vector<16xf32>,
    %swap3A_280 = vector.shape_cast %swap3A_279 : vector<16xf32> to vector<16xf32>
    %swap3A_281 = vector.shape_cast %broadcast_in_dim3A_277 : vector<16xf32> to vector<16xf32>
    tpu.vector_store %arg9[%swap3A_278], %swap3A_281 {strides = array<i32>} : memref<1024xf32, #tpu.memory_space<vmem>>, vector<16xf32>,
    %broadcast_in_dim3A_282 = arith.constant 0.000000e+00 : f32
    %broadcast_in_dim3A_283 = vector.broadcast %broadcast_in_dim3A_282 : f32 to vector<16xf32>
    %swap3A_284 = arith.constant 704 : index
    %swap3A_285 = tpu.vector_load %arg9[%swap3A_284] {strides = array<i32>} : memref<1024xf32, #tpu.memory_space<vmem>>, vector<16xf32>,
    %swap3A_286 = vector.shape_cast %swap3A_285 : vector<16xf32> to vector<16xf32>
    %swap3A_287 = vector.shape_cast %broadcast_in_dim3A_283 : vector<16xf32> to vector<16xf32>
    tpu.vector_store %arg9[%swap3A_284], %swap3A_287 {strides = array<i32>} : memref<1024xf32, #tpu.memory_space<vmem>>, vector<16xf32>,
    %broadcast_in_dim3A_288 = arith.constant 0.000000e+00 : f32
    %broadcast_in_dim3A_289 = vector.broadcast %broadcast_in_dim3A_288 : f32 to vector<16xf32>
    %swap3A_290 = arith.constant 720 : index
    %swap3A_291 = tpu.vector_load %arg9[%swap3A_290] {strides = array<i32>} : memref<1024xf32, #tpu.memory_space<vmem>>, vector<16xf32>,
    %swap3A_292 = vector.shape_cast %swap3A_291 : vector<16xf32> to vector<16xf32>
    %swap3A_293 = vector.shape_cast %broadcast_in_dim3A_289 : vector<16xf32> to vector<16xf32>
    tpu.vector_store %arg9[%swap3A_290], %swap3A_293 {strides = array<i32>} : memref<1024xf32, #tpu.memory_space<vmem>>, vector<16xf32>,
    %broadcast_in_dim3A_294 = arith.constant 0.000000e+00 : f32
    %broadcast_in_dim3A_295 = vector.broadcast %broadcast_in_dim3A_294 : f32 to vector<16xf32>
    %swap3A_296 = arith.constant 736 : index
    %swap3A_297 = tpu.vector_load %arg9[%swap3A_296] {strides = array<i32>} : memref<1024xf32, #tpu.memory_space<vmem>>, vector<16xf32>,
    %swap3A_298 = vector.shape_cast %swap3A_297 : vector<16xf32> to vector<16xf32>
    %swap3A_299 = vector.shape_cast %broadcast_in_dim3A_295 : vector<16xf32> to vector<16xf32>
    tpu.vector_store %arg9[%swap3A_296], %swap3A_299 {strides = array<i32>} : memref<1024xf32, #tpu.memory_space<vmem>>, vector<16xf32>,
    %broadcast_in_dim3A_300 = arith.constant 0.000000e+00 : f32
    %broadcast_in_dim3A_301 = vector.broadcast %broadcast_in_dim3A_300 : f32 to vector<16xf32>
    %swap3A_302 = arith.constant 752 : index
    %swap3A_303 = tpu.vector_load %arg9[%swap3A_302] {strides = array<i32>} : memref<1024xf32, #tpu.memory_space<vmem>>, vector<16xf32>,
    %swap3A_304 = vector.shape_cast %swap3A_303 : vector<16xf32> to vector<16xf32>
    %swap3A_305 = vector.shape_cast %broadcast_in_dim3A_301 : vector<16xf32> to vector<16xf32>
    tpu.vector_store %arg9[%swap3A_302], %swap3A_305 {strides = array<i32>} : memref<1024xf32, #tpu.memory_space<vmem>>, vector<16xf32>,
    %broadcast_in_dim3A_306 = arith.constant 0.000000e+00 : f32
    %broadcast_in_dim3A_307 = vector.broadcast %broadcast_in_dim3A_306 : f32 to vector<16xf32>
    %swap3A_308 = arith.constant 768 : index
    %swap3A_309 = tpu.vector_load %arg9[%swap3A_308] {strides = array<i32>} : memref<1024xf32, #tpu.memory_space<vmem>>, vector<16xf32>,
    %swap3A_310 = vector.shape_cast %swap3A_309 : vector<16xf32> to vector<16xf32>
    %swap3A_311 = vector.shape_cast %broadcast_in_dim3A_307 : vector<16xf32> to vector<16xf32>
    tpu.vector_store %arg9[%swap3A_308], %swap3A_311 {strides = array<i32>} : memref<1024xf32, #tpu.memory_space<vmem>>, vector<16xf32>,
    %broadcast_in_dim3A_312 = arith.constant 0.000000e+00 : f32
    %broadcast_in_dim3A_313 = vector.broadcast %broadcast_in_dim3A_312 : f32 to vector<16xf32>
    %swap3A_314 = arith.constant 784 : index
    %swap3A_315 = tpu.vector_load %arg9[%swap3A_314] {strides = array<i32>} : memref<1024xf32, #tpu.memory_space<vmem>>, vector<16xf32>,
    %swap3A_316 = vector.shape_cast %swap3A_315 : vector<16xf32> to vector<16xf32>
    %swap3A_317 = vector.shape_cast %broadcast_in_dim3A_313 : vector<16xf32> to vector<16xf32>
    tpu.vector_store %arg9[%swap3A_314], %swap3A_317 {strides = array<i32>} : memref<1024xf32, #tpu.memory_space<vmem>>, vector<16xf32>,
    %broadcast_in_dim3A_318 = arith.constant 0.000000e+00 : f32
    %broadcast_in_dim3A_319 = vector.broadcast %broadcast_in_dim3A_318 : f32 to vector<16xf32>
    %swap3A_320 = arith.constant 800 : index
    %swap3A_321 = tpu.vector_load %arg9[%swap3A_320] {strides = array<i32>} : memref<1024xf32, #tpu.memory_space<vmem>>, vector<16xf32>,
    %swap3A_322 = vector.shape_cast %swap3A_321 : vector<16xf32> to vector<16xf32>
    %swap3A_323 = vector.shape_cast %broadcast_in_dim3A_319 : vector<16xf32> to vector<16xf32>
    tpu.vector_store %arg9[%swap3A_320], %swap3A_323 {strides = array<i32>} : memref<1024xf32, #tpu.memory_space<vmem>>, vector<16xf32>,
    %broadcast_in_dim3A_324 = arith.constant 0.000000e+00 : f32
    %broadcast_in_dim3A_325 = vector.broadcast %broadcast_in_dim3A_324 : f32 to vector<16xf32>
    %swap3A_326 = arith.constant 816 : index
    %swap3A_327 = tpu.vector_load %arg9[%swap3A_326] {strides = array<i32>} : memref<1024xf32, #tpu.memory_space<vmem>>, vector<16xf32>,
    %swap3A_328 = vector.shape_cast %swap3A_327 : vector<16xf32> to vector<16xf32>
    %swap3A_329 = vector.shape_cast %broadcast_in_dim3A_325 : vector<16xf32> to vector<16xf32>
    tpu.vector_store %arg9[%swap3A_326], %swap3A_329 {strides = array<i32>} : memref<1024xf32, #tpu.memory_space<vmem>>, vector<16xf32>,
    %broadcast_in_dim3A_330 = arith.constant 0.000000e+00 : f32
    %broadcast_in_dim3A_331 = vector.broadcast %broadcast_in_dim3A_330 : f32 to vector<16xf32>
    %swap3A_332 = arith.constant 832 : index
    %swap3A_333 = tpu.vector_load %arg9[%swap3A_332] {strides = array<i32>} : memref<1024xf32, #tpu.memory_space<vmem>>, vector<16xf32>,
    %swap3A_334 = vector.shape_cast %swap3A_333 : vector<16xf32> to vector<16xf32>
    %swap3A_335 = vector.shape_cast %broadcast_in_dim3A_331 : vector<16xf32> to vector<16xf32>
    tpu.vector_store %arg9[%swap3A_332], %swap3A_335 {strides = array<i32>} : memref<1024xf32, #tpu.memory_space<vmem>>, vector<16xf32>,
    %broadcast_in_dim3A_336 = arith.constant 0.000000e+00 : f32
    %broadcast_in_dim3A_337 = vector.broadcast %broadcast_in_dim3A_336 : f32 to vector<16xf32>
    %swap3A_338 = arith.constant 848 : index
    %swap3A_339 = tpu.vector_load %arg9[%swap3A_338] {strides = array<i32>} : memref<1024xf32, #tpu.memory_space<vmem>>, vector<16xf32>,
    %swap3A_340 = vector.shape_cast %swap3A_339 : vector<16xf32> to vector<16xf32>
    %swap3A_341 = vector.shape_cast %broadcast_in_dim3A_337 : vector<16xf32> to vector<16xf32>
    tpu.vector_store %arg9[%swap3A_338], %swap3A_341 {strides = array<i32>} : memref<1024xf32, #tpu.memory_space<vmem>>, vector<16xf32>,
    %broadcast_in_dim3A_342 = arith.constant 0.000000e+00 : f32
    %broadcast_in_dim3A_343 = vector.broadcast %broadcast_in_dim3A_342 : f32 to vector<16xf32>
    %swap3A_344 = arith.constant 864 : index
    %swap3A_345 = tpu.vector_load %arg9[%swap3A_344] {strides = array<i32>} : memref<1024xf32, #tpu.memory_space<vmem>>, vector<16xf32>,
    %swap3A_346 = vector.shape_cast %swap3A_345 : vector<16xf32> to vector<16xf32>
    %swap3A_347 = vector.shape_cast %broadcast_in_dim3A_343 : vector<16xf32> to vector<16xf32>
    tpu.vector_store %arg9[%swap3A_344], %swap3A_347 {strides = array<i32>} : memref<1024xf32, #tpu.memory_space<vmem>>, vector<16xf32>,
    %broadcast_in_dim3A_348 = arith.constant 0.000000e+00 : f32
    %broadcast_in_dim3A_349 = vector.broadcast %broadcast_in_dim3A_348 : f32 to vector<16xf32>
    %swap3A_350 = arith.constant 880 : index
    %swap3A_351 = tpu.vector_load %arg9[%swap3A_350] {strides = array<i32>} : memref<1024xf32, #tpu.memory_space<vmem>>, vector<16xf32>,
    %swap3A_352 = vector.shape_cast %swap3A_351 : vector<16xf32> to vector<16xf32>
    %swap3A_353 = vector.shape_cast %broadcast_in_dim3A_349 : vector<16xf32> to vector<16xf32>
    tpu.vector_store %arg9[%swap3A_350], %swap3A_353 {strides = array<i32>} : memref<1024xf32, #tpu.memory_space<vmem>>, vector<16xf32>,
    %broadcast_in_dim3A_354 = arith.constant 0.000000e+00 : f32
    %broadcast_in_dim3A_355 = vector.broadcast %broadcast_in_dim3A_354 : f32 to vector<16xf32>
    %swap3A_356 = arith.constant 896 : index
    %swap3A_357 = tpu.vector_load %arg9[%swap3A_356] {strides = array<i32>} : memref<1024xf32, #tpu.memory_space<vmem>>, vector<16xf32>,
    %swap3A_358 = vector.shape_cast %swap3A_357 : vector<16xf32> to vector<16xf32>
    %swap3A_359 = vector.shape_cast %broadcast_in_dim3A_355 : vector<16xf32> to vector<16xf32>
    tpu.vector_store %arg9[%swap3A_356], %swap3A_359 {strides = array<i32>} : memref<1024xf32, #tpu.memory_space<vmem>>, vector<16xf32>,
    %broadcast_in_dim3A_360 = arith.constant 0.000000e+00 : f32
    %broadcast_in_dim3A_361 = vector.broadcast %broadcast_in_dim3A_360 : f32 to vector<16xf32>
    %swap3A_362 = arith.constant 912 : index
    %swap3A_363 = tpu.vector_load %arg9[%swap3A_362] {strides = array<i32>} : memref<1024xf32, #tpu.memory_space<vmem>>, vector<16xf32>,
    %swap3A_364 = vector.shape_cast %swap3A_363 : vector<16xf32> to vector<16xf32>
    %swap3A_365 = vector.shape_cast %broadcast_in_dim3A_361 : vector<16xf32> to vector<16xf32>
    tpu.vector_store %arg9[%swap3A_362], %swap3A_365 {strides = array<i32>} : memref<1024xf32, #tpu.memory_space<vmem>>, vector<16xf32>,
    %broadcast_in_dim3A_366 = arith.constant 0.000000e+00 : f32
    %broadcast_in_dim3A_367 = vector.broadcast %broadcast_in_dim3A_366 : f32 to vector<16xf32>
    %swap3A_368 = arith.constant 928 : index
    %swap3A_369 = tpu.vector_load %arg9[%swap3A_368] {strides = array<i32>} : memref<1024xf32, #tpu.memory_space<vmem>>, vector<16xf32>,
    %swap3A_370 = vector.shape_cast %swap3A_369 : vector<16xf32> to vector<16xf32>
    %swap3A_371 = vector.shape_cast %broadcast_in_dim3A_367 : vector<16xf32> to vector<16xf32>
    tpu.vector_store %arg9[%swap3A_368], %swap3A_371 {strides = array<i32>} : memref<1024xf32, #tpu.memory_space<vmem>>, vector<16xf32>,
    %broadcast_in_dim3A_372 = arith.constant 0.000000e+00 : f32
    %broadcast_in_dim3A_373 = vector.broadcast %broadcast_in_dim3A_372 : f32 to vector<16xf32>
    %swap3A_374 = arith.constant 944 : index
    %swap3A_375 = tpu.vector_load %arg9[%swap3A_374] {strides = array<i32>} : memref<1024xf32, #tpu.memory_space<vmem>>, vector<16xf32>,
    %swap3A_376 = vector.shape_cast %swap3A_375 : vector<16xf32> to vector<16xf32>
    %swap3A_377 = vector.shape_cast %broadcast_in_dim3A_373 : vector<16xf32> to vector<16xf32>
    tpu.vector_store %arg9[%swap3A_374], %swap3A_377 {strides = array<i32>} : memref<1024xf32, #tpu.memory_space<vmem>>, vector<16xf32>,
    %broadcast_in_dim3A_378 = arith.constant 0.000000e+00 : f32
    %broadcast_in_dim3A_379 = vector.broadcast %broadcast_in_dim3A_378 : f32 to vector<16xf32>
    %swap3A_380 = arith.constant 960 : index
    %swap3A_381 = tpu.vector_load %arg9[%swap3A_380] {strides = array<i32>} : memref<1024xf32, #tpu.memory_space<vmem>>, vector<16xf32>,
    %swap3A_382 = vector.shape_cast %swap3A_381 : vector<16xf32> to vector<16xf32>
    %swap3A_383 = vector.shape_cast %broadcast_in_dim3A_379 : vector<16xf32> to vector<16xf32>
    tpu.vector_store %arg9[%swap3A_380], %swap3A_383 {strides = array<i32>} : memref<1024xf32, #tpu.memory_space<vmem>>, vector<16xf32>,
    %broadcast_in_dim3A_384 = arith.constant 0.000000e+00 : f32
    %broadcast_in_dim3A_385 = vector.broadcast %broadcast_in_dim3A_384 : f32 to vector<16xf32>
    %swap3A_386 = arith.constant 976 : index
    %swap3A_387 = tpu.vector_load %arg9[%swap3A_386] {strides = array<i32>} : memref<1024xf32, #tpu.memory_space<vmem>>, vector<16xf32>,
    %swap3A_388 = vector.shape_cast %swap3A_387 : vector<16xf32> to vector<16xf32>
    %swap3A_389 = vector.shape_cast %broadcast_in_dim3A_385 : vector<16xf32> to vector<16xf32>
    tpu.vector_store %arg9[%swap3A_386], %swap3A_389 {strides = array<i32>} : memref<1024xf32, #tpu.memory_space<vmem>>, vector<16xf32>,
    %broadcast_in_dim3A_390 = arith.constant 0.000000e+00 : f32
    %broadcast_in_dim3A_391 = vector.broadcast %broadcast_in_dim3A_390 : f32 to vector<16xf32>
    %swap3A_392 = arith.constant 992 : index
    %swap3A_393 = tpu.vector_load %arg9[%swap3A_392] {strides = array<i32>} : memref<1024xf32, #tpu.memory_space<vmem>>, vector<16xf32>,
    %swap3A_394 = vector.shape_cast %swap3A_393 : vector<16xf32> to vector<16xf32>
    %swap3A_395 = vector.shape_cast %broadcast_in_dim3A_391 : vector<16xf32> to vector<16xf32>
    tpu.vector_store %arg9[%swap3A_392], %swap3A_395 {strides = array<i32>} : memref<1024xf32, #tpu.memory_space<vmem>>, vector<16xf32>,
    %broadcast_in_dim3A_396 = arith.constant 0.000000e+00 : f32
    %broadcast_in_dim3A_397 = vector.broadcast %broadcast_in_dim3A_396 : f32 to vector<16xf32>
    %swap3A_398 = arith.constant 1008 : index
    %swap3A_399 = tpu.vector_load %arg9[%swap3A_398] {strides = array<i32>} : memref<1024xf32, #tpu.memory_space<vmem>>, vector<16xf32>,
    %swap3A_400 = vector.shape_cast %swap3A_399 : vector<16xf32> to vector<16xf32>
    %swap3A_401 = vector.shape_cast %broadcast_in_dim3A_397 : vector<16xf32> to vector<16xf32>
    tpu.vector_store %arg9[%swap3A_398], %swap3A_401 {strides = array<i32>} : memref<1024xf32, #tpu.memory_space<vmem>>, vector<16xf32>,
    %broadcast_in_dim3A_402 = arith.constant 1.000000e+00 : f32
    %broadcast_in_dim3A_403 = vector.broadcast %broadcast_in_dim3A_402 : f32 to vector<16xf32>
    %swap3A_404 = arith.constant 0 : index
    %swap3A_405 = tpu.vector_load %arg8[%swap3A_404] {strides = array<i32>} : memref<128xf32, #tpu.memory_space<vmem>>, vector<16xf32>,
    %swap3A_406 = vector.shape_cast %swap3A_405 : vector<16xf32> to vector<16xf32>
    %swap3A_407 = vector.shape_cast %broadcast_in_dim3A_403 : vector<16xf32> to vector<16xf32>
    tpu.vector_store %arg8[%swap3A_404], %swap3A_407 {strides = array<i32>} : memref<128xf32, #tpu.memory_space<vmem>>, vector<16xf32>,
    %broadcast_in_dim3A_408 = arith.constant 1.000000e+00 : f32
    %broadcast_in_dim3A_409 = vector.broadcast %broadcast_in_dim3A_408 : f32 to vector<16xf32>
    %swap3A_410 = arith.constant 16 : index
    %swap3A_411 = tpu.vector_load %arg8[%swap3A_410] {strides = array<i32>} : memref<128xf32, #tpu.memory_space<vmem>>, vector<16xf32>,
    %swap3A_412 = vector.shape_cast %swap3A_411 : vector<16xf32> to vector<16xf32>
    %swap3A_413 = vector.shape_cast %broadcast_in_dim3A_409 : vector<16xf32> to vector<16xf32>
    tpu.vector_store %arg8[%swap3A_410], %swap3A_413 {strides = array<i32>} : memref<128xf32, #tpu.memory_space<vmem>>, vector<16xf32>,
    %broadcast_in_dim3A_414 = arith.constant 1.000000e+00 : f32
    %broadcast_in_dim3A_415 = vector.broadcast %broadcast_in_dim3A_414 : f32 to vector<16xf32>
    %swap3A_416 = arith.constant 32 : index
    %swap3A_417 = tpu.vector_load %arg8[%swap3A_416] {strides = array<i32>} : memref<128xf32, #tpu.memory_space<vmem>>, vector<16xf32>,
    %swap3A_418 = vector.shape_cast %swap3A_417 : vector<16xf32> to vector<16xf32>
    %swap3A_419 = vector.shape_cast %broadcast_in_dim3A_415 : vector<16xf32> to vector<16xf32>
    tpu.vector_store %arg8[%swap3A_416], %swap3A_419 {strides = array<i32>} : memref<128xf32, #tpu.memory_space<vmem>>, vector<16xf32>,
    %broadcast_in_dim3A_420 = arith.constant 1.000000e+00 : f32
    %broadcast_in_dim3A_421 = vector.broadcast %broadcast_in_dim3A_420 : f32 to vector<16xf32>
    %swap3A_422 = arith.constant 48 : index
    %swap3A_423 = tpu.vector_load %arg8[%swap3A_422] {strides = array<i32>} : memref<128xf32, #tpu.memory_space<vmem>>, vector<16xf32>,
    %swap3A_424 = vector.shape_cast %swap3A_423 : vector<16xf32> to vector<16xf32>
    %swap3A_425 = vector.shape_cast %broadcast_in_dim3A_421 : vector<16xf32> to vector<16xf32>
    tpu.vector_store %arg8[%swap3A_422], %swap3A_425 {strides = array<i32>} : memref<128xf32, #tpu.memory_space<vmem>>, vector<16xf32>,
    %broadcast_in_dim3A_426 = arith.constant 1.000000e+00 : f32
    %broadcast_in_dim3A_427 = vector.broadcast %broadcast_in_dim3A_426 : f32 to vector<16xf32>
    %swap3A_428 = arith.constant 64 : index
    %swap3A_429 = tpu.vector_load %arg8[%swap3A_428] {strides = array<i32>} : memref<128xf32, #tpu.memory_space<vmem>>, vector<16xf32>,
    %swap3A_430 = vector.shape_cast %swap3A_429 : vector<16xf32> to vector<16xf32>
    %swap3A_431 = vector.shape_cast %broadcast_in_dim3A_427 : vector<16xf32> to vector<16xf32>
    tpu.vector_store %arg8[%swap3A_428], %swap3A_431 {strides = array<i32>} : memref<128xf32, #tpu.memory_space<vmem>>, vector<16xf32>,
    %broadcast_in_dim3A_432 = arith.constant 1.000000e+00 : f32
    %broadcast_in_dim3A_433 = vector.broadcast %broadcast_in_dim3A_432 : f32 to vector<16xf32>
    %swap3A_434 = arith.constant 80 : index
    %swap3A_435 = tpu.vector_load %arg8[%swap3A_434] {strides = array<i32>} : memref<128xf32, #tpu.memory_space<vmem>>, vector<16xf32>,
    %swap3A_436 = vector.shape_cast %swap3A_435 : vector<16xf32> to vector<16xf32>
    %swap3A_437 = vector.shape_cast %broadcast_in_dim3A_433 : vector<16xf32> to vector<16xf32>
    tpu.vector_store %arg8[%swap3A_434], %swap3A_437 {strides = array<i32>} : memref<128xf32, #tpu.memory_space<vmem>>, vector<16xf32>,
    %broadcast_in_dim3A_438 = arith.constant 1.000000e+00 : f32
    %broadcast_in_dim3A_439 = vector.broadcast %broadcast_in_dim3A_438 : f32 to vector<16xf32>
    %swap3A_440 = arith.constant 96 : index
    %swap3A_441 = tpu.vector_load %arg8[%swap3A_440] {strides = array<i32>} : memref<128xf32, #tpu.memory_space<vmem>>, vector<16xf32>,
    %swap3A_442 = vector.shape_cast %swap3A_441 : vector<16xf32> to vector<16xf32>
    %swap3A_443 = vector.shape_cast %broadcast_in_dim3A_439 : vector<16xf32> to vector<16xf32>
    tpu.vector_store %arg8[%swap3A_440], %swap3A_443 {strides = array<i32>} : memref<128xf32, #tpu.memory_space<vmem>>, vector<16xf32>,
    %broadcast_in_dim3A_444 = arith.constant 1.000000e+00 : f32
    %broadcast_in_dim3A_445 = vector.broadcast %broadcast_in_dim3A_444 : f32 to vector<16xf32>
    %swap3A_446 = arith.constant 112 : index
    %swap3A_447 = tpu.vector_load %arg8[%swap3A_446] {strides = array<i32>} : memref<128xf32, #tpu.memory_space<vmem>>, vector<16xf32>,
    %swap3A_448 = vector.shape_cast %swap3A_447 : vector<16xf32> to vector<16xf32>
    %swap3A_449 = vector.shape_cast %broadcast_in_dim3A_445 : vector<16xf32> to vector<16xf32>
    tpu.vector_store %arg8[%swap3A_446], %swap3A_449 {strides = array<i32>} : memref<128xf32, #tpu.memory_space<vmem>>, vector<16xf32>,
    %eq3A = arith.constant 0 : i32
    %eq3A_450 = arith.cmpi eq, %arg1, %eq3A : i32
    %convert_element_type3A = arith.extui %eq3A_450 : i1 to i32
    %cond3A = arith.constant 0 : i32
    %cond3A_451 = arith.cmpi ne, %convert_element_type3A, %cond3A : i32
    scf.if %cond3A_451 {
      "tpu.region"() ({
        %run_scoped3A = tpu.sem_alloc : memref<!tpu.dma_semaphore, #tpu.memory_space<semaphore_mem>>
        tpu.enqueue_dma source(%arg9 : memref<1024xf32, #tpu.memory_space<vmem>>) target(%arg10 : memref<1024xf32, #tpu.memory_space<vmem_shared>>) target_semaphore(%run_scoped3A : memref<!tpu.dma_semaphore, #tpu.memory_space<semaphore_mem>>)
        tpu.wait_dma2 semaphore(%run_scoped3A : memref<!tpu.dma_semaphore, #tpu.memory_space<semaphore_mem>>) src(%arg9 : memref<1024xf32, #tpu.memory_space<vmem>>) dst(%arg10 : memref<1024xf32, #tpu.memory_space<vmem_shared>>)
        tpu.yield
      }) : () -> ()
    } else {
    }
    %barrier3A = arith.constant 0 : index
    tpu.barrier barrier_id(%barrier3A)
    %dma_start3A_452 = arith.constant 0 : i32
    %dma_start3A_453 = arith.constant 0 : i32
    %dma_start3A_454 = tpu.memref_slice %arg6[%dma_start3A_452, %dma_start3A_453] : memref<2x128xi32, #tpu.memory_space<vmem>> -> memref<1x128xi32, #tpu.memory_space<vmem>>
    %dma_start3A_455 = tpu.memref_squeeze %dma_start3A_454 : memref<1x128xi32, #tpu.memory_space<vmem>> -> memref<128xi32, #tpu.memory_space<vmem>>
    %dma_start3A_456 = arith.constant 0 : i32
    %dma_start3A_457 = tpu.memref_slice %arg10[%dma_start3A_456] : memref<1024xf32, #tpu.memory_space<vmem_shared>> -> memref<1024xf32, #tpu.memory_space<vmem_shared>>
    tpu.enqueue_indirect_dma source(%arg8 : memref<128xf32, #tpu.memory_space<vmem>>) target(%dma_start3A_457 : memref<1024xf32, #tpu.memory_space<vmem_shared>>) offsets(%dma_start3A_455 : memref<128xi32, #tpu.memory_space<vmem>>) semaphore(%arg13 : memref<!tpu.dma_semaphore, #tpu.memory_space<semaphore_mem>>) {add = true}
    %dma_start3A_458 = arith.constant 1 : i32
    %dma_start3A_459 = arith.constant 0 : i32
    %dma_start3A_460 = tpu.memref_slice %arg6[%dma_start3A_458, %dma_start3A_459] : memref<2x128xi32, #tpu.memory_space<vmem>> -> memref<1x128xi32, #tpu.memory_space<vmem>>
    %dma_start3A_461 = tpu.memref_squeeze %dma_start3A_460 : memref<1x128xi32, #tpu.memory_space<vmem>> -> memref<128xi32, #tpu.memory_space<vmem>>
    %dma_start3A_462 = arith.constant 0 : i32
    %dma_start3A_463 = tpu.memref_slice %arg10[%dma_start3A_462] : memref<1024xf32, #tpu.memory_space<vmem_shared>> -> memref<1024xf32, #tpu.memory_space<vmem_shared>>
    tpu.enqueue_indirect_dma source(%arg8 : memref<128xf32, #tpu.memory_space<vmem>>) target(%dma_start3A_463 : memref<1024xf32, #tpu.memory_space<vmem_shared>>) offsets(%dma_start3A_461 : memref<128xi32, #tpu.memory_space<vmem>>) semaphore(%arg13 : memref<!tpu.dma_semaphore, #tpu.memory_space<semaphore_mem>>) {add = true}
    %dma_wait3A = arith.constant 0 : i32
    %dma_wait3A_464 = arith.constant 0 : i32
    %dma_wait3A_465 = arith.constant 0 : i32
    %dma_wait3A_466 = tpu.memref_slice %arg7[%dma_wait3A_464, %dma_wait3A_465] : memref<256x128xf32, #tpu.memory_space<vmem>> -> memref<128x128xf32, #tpu.memory_space<vmem>>
    %dma_wait3A_467 = arith.constant 0 : i32
    %dma_wait3A_468 = tpu.memref_slice %arg6[%dma_wait3A, %dma_wait3A_467] : memref<2x128xi32, #tpu.memory_space<vmem>> -> memref<1x128xi32, #tpu.memory_space<vmem>>
    %dma_wait3A_469 = tpu.memref_squeeze %dma_wait3A_468 : memref<1x128xi32, #tpu.memory_space<vmem>> -> memref<128xi32, #tpu.memory_space<vmem>>
    %dma_wait3A_470 = arith.constant 0 : i32
    %dma_wait3A_471 = arith.constant 0 : i32
    %dma_wait3A_472 = tpu.memref_slice %arg3[%dma_wait3A_470, %dma_wait3A_471] : memref<1024x128xf32, #tpu.memory_space<hbm>> -> memref<1024x128xf32, #tpu.memory_space<hbm>>
    tpu.wait_indirect_dma semaphore(%arg11 : memref<!tpu.dma_semaphore, #tpu.memory_space<semaphore_mem>>) src(%dma_wait3A_472 : memref<1024x128xf32, #tpu.memory_space<hbm>>) dst(%dma_wait3A_466 : memref<128x128xf32, #tpu.memory_space<vmem>>)
    %mul3A_473 = arith.constant 256 : i32
    %mul3A_474 = arith.muli %add3A, %mul3A_473 : i32
    %add3A_475 = arith.constant 0 : i32
    %add3A_476 = arith.addi %mul3A_474, %add3A_475 : i32
    %dma_start3A_477 = arith.constant 0 : i32
    %dma_start3A_478 = arith.constant 0 : i32
    %dma_start3A_479 = tpu.memref_slice %arg7[%dma_start3A_477, %dma_start3A_478] : memref<256x128xf32, #tpu.memory_space<vmem>> -> memref<128x128xf32, #tpu.memory_space<vmem>>
    %dma_start3A_480 = arith.constant 0 : i32
    %dma_start3A_481 = tpu.memref_slice %arg4[%add3A_476, %dma_start3A_480] : memref<8192x128xf32, #tpu.memory_space<hbm>> -> memref<128x128xf32, #tpu.memory_space<hbm>>
    %dma_start3A_482 = arith.constant 0 : i32
    %dma_start3A_483 = tpu.memref_slice %arg4[%add3A_476, %dma_start3A_482] : memref<8192x128xf32, #tpu.memory_space<hbm>> -> memref<128x128xf32, #tpu.memory_space<hbm>>
    %dma_start3A_484 = arith.constant 0 : i32
    %dma_start3A_485 = arith.constant 0 : i32
    %dma_start3A_486 = tpu.memref_slice %arg7[%dma_start3A_484, %dma_start3A_485] : memref<256x128xf32, #tpu.memory_space<vmem>> -> memref<128x128xf32, #tpu.memory_space<vmem>>
    tpu.enqueue_dma source(%dma_start3A_486 : memref<128x128xf32, #tpu.memory_space<vmem>>) target(%dma_start3A_483 : memref<128x128xf32, #tpu.memory_space<hbm>>) target_semaphore(%arg12 : memref<!tpu.dma_semaphore, #tpu.memory_space<semaphore_mem>>)
    %dma_wait3A_487 = arith.constant 1 : i32
    %dma_wait3A_488 = arith.constant 128 : i32
    %dma_wait3A_489 = arith.constant 0 : i32
    %dma_wait3A_490 = tpu.memref_slice %arg7[%dma_wait3A_488, %dma_wait3A_489] : memref<256x128xf32, #tpu.memory_space<vmem>> -> memref<128x128xf32, #tpu.memory_space<vmem>>
    %dma_wait3A_491 = arith.constant 0 : i32
    %dma_wait3A_492 = tpu.memref_slice %arg6[%dma_wait3A_487, %dma_wait3A_491] : memref<2x128xi32, #tpu.memory_space<vmem>> -> memref<1x128xi32, #tpu.memory_space<vmem>>
    %dma_wait3A_493 = tpu.memref_squeeze %dma_wait3A_492 : memref<1x128xi32, #tpu.memory_space<vmem>> -> memref<128xi32, #tpu.memory_space<vmem>>
    %dma_wait3A_494 = arith.constant 0 : i32
    %dma_wait3A_495 = arith.constant 0 : i32
    %dma_wait3A_496 = tpu.memref_slice %arg3[%dma_wait3A_494, %dma_wait3A_495] : memref<1024x128xf32, #tpu.memory_space<hbm>> -> memref<1024x128xf32, #tpu.memory_space<hbm>>
    tpu.wait_indirect_dma semaphore(%arg11 : memref<!tpu.dma_semaphore, #tpu.memory_space<semaphore_mem>>) src(%dma_wait3A_496 : memref<1024x128xf32, #tpu.memory_space<hbm>>) dst(%dma_wait3A_490 : memref<128x128xf32, #tpu.memory_space<vmem>>)
    %mul3A_497 = arith.constant 256 : i32
    %mul3A_498 = arith.muli %add3A, %mul3A_497 : i32
    %add3A_499 = arith.constant 128 : i32
    %add3A_500 = arith.addi %mul3A_498, %add3A_499 : i32
    %dma_start3A_501 = arith.constant 128 : i32
    %dma_start3A_502 = arith.constant 0 : i32
    %dma_start3A_503 = tpu.memref_slice %arg7[%dma_start3A_501, %dma_start3A_502] : memref<256x128xf32, #tpu.memory_space<vmem>> -> memref<128x128xf32, #tpu.memory_space<vmem>>
    %dma_start3A_504 = arith.constant 0 : i32
    %dma_start3A_505 = tpu.memref_slice %arg4[%add3A_500, %dma_start3A_504] : memref<8192x128xf32, #tpu.memory_space<hbm>> -> memref<128x128xf32, #tpu.memory_space<hbm>>
    %dma_start3A_506 = arith.constant 0 : i32
    %dma_start3A_507 = tpu.memref_slice %arg4[%add3A_500, %dma_start3A_506] : memref<8192x128xf32, #tpu.memory_space<hbm>> -> memref<128x128xf32, #tpu.memory_space<hbm>>
    %dma_start3A_508 = arith.constant 128 : i32
    %dma_start3A_509 = arith.constant 0 : i32
    %dma_start3A_510 = tpu.memref_slice %arg7[%dma_start3A_508, %dma_start3A_509] : memref<256x128xf32, #tpu.memory_space<vmem>> -> memref<128x128xf32, #tpu.memory_space<vmem>>
    tpu.enqueue_dma source(%dma_start3A_510 : memref<128x128xf32, #tpu.memory_space<vmem>>) target(%dma_start3A_507 : memref<128x128xf32, #tpu.memory_space<hbm>>) target_semaphore(%arg12 : memref<!tpu.dma_semaphore, #tpu.memory_space<semaphore_mem>>)
    %dma_wait3A_511 = arith.constant 0 : i32
    %dma_wait3A_512 = arith.constant 0 : i32
    %dma_wait3A_513 = tpu.memref_slice %arg6[%dma_wait3A_511, %dma_wait3A_512] : memref<2x128xi32, #tpu.memory_space<vmem>> -> memref<1x128xi32, #tpu.memory_space<vmem>>
    %dma_wait3A_514 = tpu.memref_squeeze %dma_wait3A_513 : memref<1x128xi32, #tpu.memory_space<vmem>> -> memref<128xi32, #tpu.memory_space<vmem>>
    %dma_wait3A_515 = arith.constant 0 : i32
    %dma_wait3A_516 = tpu.memref_slice %arg10[%dma_wait3A_515] : memref<1024xf32, #tpu.memory_space<vmem_shared>> -> memref<1024xf32, #tpu.memory_space<vmem_shared>>
    tpu.wait_indirect_dma semaphore(%arg13 : memref<!tpu.dma_semaphore, #tpu.memory_space<semaphore_mem>>) src(%arg8 : memref<128xf32, #tpu.memory_space<vmem>>) dst(%dma_wait3A_516 : memref<1024xf32, #tpu.memory_space<vmem_shared>>)
    %dma_wait3A_517 = arith.constant 1 : i32
    %dma_wait3A_518 = arith.constant 0 : i32
    %dma_wait3A_519 = tpu.memref_slice %arg6[%dma_wait3A_517, %dma_wait3A_518] : memref<2x128xi32, #tpu.memory_space<vmem>> -> memref<1x128xi32, #tpu.memory_space<vmem>>
    %dma_wait3A_520 = tpu.memref_squeeze %dma_wait3A_519 : memref<1x128xi32, #tpu.memory_space<vmem>> -> memref<128xi32, #tpu.memory_space<vmem>>
    %dma_wait3A_521 = arith.constant 0 : i32
    %dma_wait3A_522 = tpu.memref_slice %arg10[%dma_wait3A_521] : memref<1024xf32, #tpu.memory_space<vmem_shared>> -> memref<1024xf32, #tpu.memory_space<vmem_shared>>
    tpu.wait_indirect_dma semaphore(%arg13 : memref<!tpu.dma_semaphore, #tpu.memory_space<semaphore_mem>>) src(%arg8 : memref<128xf32, #tpu.memory_space<vmem>>) dst(%dma_wait3A_522 : memref<1024xf32, #tpu.memory_space<vmem_shared>>)
    %dma_wait3A_523 = arith.constant 0 : i32
    %dma_wait3A_524 = arith.constant 0 : i32
    %dma_wait3A_525 = tpu.memref_slice %arg7[%dma_wait3A_523, %dma_wait3A_524] : memref<256x128xf32, #tpu.memory_space<vmem>> -> memref<128x128xf32, #tpu.memory_space<vmem>>
    %dma_wait3A_526 = arith.constant 0 : i32
    %dma_wait3A_527 = tpu.memref_slice %arg4[%add3A_476, %dma_wait3A_526] : memref<8192x128xf32, #tpu.memory_space<hbm>> -> memref<128x128xf32, #tpu.memory_space<hbm>>
    %dma_wait3A_528 = arith.constant 0 : i32
    %dma_wait3A_529 = tpu.memref_slice %arg4[%add3A_476, %dma_wait3A_528] : memref<8192x128xf32, #tpu.memory_space<hbm>> -> memref<128x128xf32, #tpu.memory_space<hbm>>
    %dma_wait3A_530 = arith.constant 0 : i32
    %dma_wait3A_531 = arith.constant 0 : i32
    %dma_wait3A_532 = tpu.memref_slice %arg7[%dma_wait3A_530, %dma_wait3A_531] : memref<256x128xf32, #tpu.memory_space<vmem>> -> memref<128x128xf32, #tpu.memory_space<vmem>>
    tpu.wait_dma2 semaphore(%arg12 : memref<!tpu.dma_semaphore, #tpu.memory_space<semaphore_mem>>) src(%dma_wait3A_532 : memref<128x128xf32, #tpu.memory_space<vmem>>) dst(%dma_wait3A_529 : memref<128x128xf32, #tpu.memory_space<hbm>>)
    %dma_wait3A_533 = arith.constant 128 : i32
    %dma_wait3A_534 = arith.constant 0 : i32
    %dma_wait3A_535 = tpu.memref_slice %arg7[%dma_wait3A_533, %dma_wait3A_534] : memref<256x128xf32, #tpu.memory_space<vmem>> -> memref<128x128xf32, #tpu.memory_space<vmem>>
    %dma_wait3A_536 = arith.constant 0 : i32
    %dma_wait3A_537 = tpu.memref_slice %arg4[%add3A_500, %dma_wait3A_536] : memref<8192x128xf32, #tpu.memory_space<hbm>> -> memref<128x128xf32, #tpu.memory_space<hbm>>
    %dma_wait3A_538 = arith.constant 0 : i32
    %dma_wait3A_539 = tpu.memref_slice %arg4[%add3A_500, %dma_wait3A_538] : memref<8192x128xf32, #tpu.memory_space<hbm>> -> memref<128x128xf32, #tpu.memory_space<hbm>>
    %dma_wait3A_540 = arith.constant 128 : i32
    %dma_wait3A_541 = arith.constant 0 : i32
    %dma_wait3A_542 = tpu.memref_slice %arg7[%dma_wait3A_540, %dma_wait3A_541] : memref<256x128xf32, #tpu.memory_space<vmem>> -> memref<128x128xf32, #tpu.memory_space<vmem>>
    tpu.wait_dma2 semaphore(%arg12 : memref<!tpu.dma_semaphore, #tpu.memory_space<semaphore_mem>>) src(%dma_wait3A_542 : memref<128x128xf32, #tpu.memory_space<vmem>>) dst(%dma_wait3A_539 : memref<128x128xf32, #tpu.memory_space<hbm>>)
    %barrier3A_543 = arith.constant 0 : index
    tpu.barrier barrier_id(%barrier3A_543)
    %eq3A_544 = arith.constant 0 : i32
    %eq3A_545 = arith.cmpi eq, %arg1, %eq3A_544 : i32
    %convert_element_type3A_546 = arith.extui %eq3A_545 : i1 to i32
    %cond3A_547 = arith.constant 0 : i32
    %cond3A_548 = arith.cmpi ne, %convert_element_type3A_546, %cond3A_547 : i32
    scf.if %cond3A_548 {
      "tpu.region"() ({
        %run_scoped3A = tpu.sem_alloc : memref<!tpu.dma_semaphore, #tpu.memory_space<semaphore_mem>>
        %dma_start3A_549 = arith.constant 0 : i32
        %dma_start3A_550 = tpu.memref_slice %arg5[%arg0, %dma_start3A_549] : memref<2x1024xf32, #tpu.memory_space<hbm>> -> memref<1x1024xf32, #tpu.memory_space<hbm>>
        %dma_start3A_551 = tpu.memref_squeeze %dma_start3A_550 : memref<1x1024xf32, #tpu.memory_space<hbm>> -> memref<1024xf32, #tpu.memory_space<hbm>>
        tpu.enqueue_dma source(%arg10 : memref<1024xf32, #tpu.memory_space<vmem_shared>>) target(%dma_start3A_551 : memref<1024xf32, #tpu.memory_space<hbm>>) target_semaphore(%run_scoped3A : memref<!tpu.dma_semaphore, #tpu.memory_space<semaphore_mem>>)
        %dma_wait3A_552 = arith.constant 0 : i32
        %dma_wait3A_553 = tpu.memref_slice %arg5[%arg0, %dma_wait3A_552] : memref<2x1024xf32, #tpu.memory_space<hbm>> -> memref<1x1024xf32, #tpu.memory_space<hbm>>
        %dma_wait3A_554 = tpu.memref_squeeze %dma_wait3A_553 : memref<1x1024xf32, #tpu.memory_space<hbm>> -> memref<1024xf32, #tpu.memory_space<hbm>>
        tpu.wait_dma2 semaphore(%run_scoped3A : memref<!tpu.dma_semaphore, #tpu.memory_space<semaphore_mem>>) src(%arg10 : memref<1024xf32, #tpu.memory_space<vmem_shared>>) dst(%dma_wait3A_554 : memref<1024xf32, #tpu.memory_space<hbm>>)
        tpu.yield
      }) : () -> ()
    } else {
    }
    return
  }
}

module attributes {stable_mosaic.version = 14 : i64} {
  func.func @_tc_fina_body(%arg0: i32, %arg1: memref<2048x128xf32, #tpu.memory_space<vmem>>, %arg2: memref<2x64x1024xf32, #tpu.memory_space<vmem>>) attributes {dimension_semantics = [#tpu.dimension_semantics<arbitrary>], iteration_bounds = array<i64: 4>, scalar_prefetch = 0 : i64, scratch_operands = 0 : i64, tpu.core_type = #tpu.core_type<tc>, window_params = [{transform_indices = @transform_0, window_bounds = array<i64: 2048, 128>}, {transform_indices = @transform_1, window_bounds = array<i64: 2, 64, 1024>}]} {
    %get3A = arith.constant 0 : index
    %get3A_0 = arith.constant 0 : index
    %get3A_1 = vector.load %arg1[%get3A, %get3A_0] : memref<2048x128xf32, #tpu.memory_space<vmem>>, vector<1024x64xf32>
    %transpose3A = tpu.transpose %get3A_1, [1, 0] : vector<1024x64xf32> -> vector<64x1024xf32>
    %swap3A = arith.constant 0 : index
    %swap3A_2 = arith.constant 0 : index
    %swap3A_3 = arith.constant 0 : index
    %swap3A_4 = vector.load %arg2[%swap3A, %swap3A_2, %swap3A_3] : memref<2x64x1024xf32, #tpu.memory_space<vmem>>, vector<1x64x1024xf32>
    %swap3A_5 = vector.shape_cast %swap3A_4 : vector<1x64x1024xf32> to vector<64x1024xf32>
    %swap3A_6 = vector.shape_cast %transpose3A : vector<64x1024xf32> to vector<1x64x1024xf32>
    tpu.vector_store %arg2[%swap3A, %swap3A_2, %swap3A_3], %swap3A_6 {strides = array<i32>} : memref<2x64x1024xf32, #tpu.memory_space<vmem>>, vector<1x64x1024xf32>,
    %get3A_7 = arith.constant 1024 : index
    %get3A_8 = arith.constant 0 : index
    %get3A_9 = vector.load %arg1[%get3A_7, %get3A_8] : memref<2048x128xf32, #tpu.memory_space<vmem>>, vector<1024x64xf32>
    %transpose3A_10 = tpu.transpose %get3A_9, [1, 0] : vector<1024x64xf32> -> vector<64x1024xf32>
    %swap3A_11 = arith.constant 1 : index
    %swap3A_12 = arith.constant 0 : index
    %swap3A_13 = arith.constant 0 : index
    %swap3A_14 = vector.load %arg2[%swap3A_11, %swap3A_12, %swap3A_13] : memref<2x64x1024xf32, #tpu.memory_space<vmem>>, vector<1x64x1024xf32>
    %swap3A_15 = vector.shape_cast %swap3A_14 : vector<1x64x1024xf32> to vector<64x1024xf32>
    %swap3A_16 = vector.shape_cast %transpose3A_10 : vector<64x1024xf32> to vector<1x64x1024xf32>
    tpu.vector_store %arg2[%swap3A_11, %swap3A_12, %swap3A_13], %swap3A_16 {strides = array<i32>} : memref<2x64x1024xf32, #tpu.memory_space<vmem>>, vector<1x64x1024xf32>,
    return
  }
  func.func @transform_0(%arg0: i32) -> (i32, i32) {
    %c0_i32 = arith.constant 0 : i32
    %c0_i32_0 = arith.constant 0 : i32
    return %arg0, %c0_i32 : i32, i32
  }
  func.func @transform_1(%arg0: i32) -> (i32, i32, i32) {
    %c0_i32 = arith.constant 0 : i32
    %c0_i32_0 = arith.constant 0 : i32
    %c0_i32_1 = arith.constant 0 : i32
    return %arg0, %c0_i32, %c0_i32_0 : i32, i32, i32
  }
}

module attributes {stable_mosaic.version = 14 : i64} {
  func.func @_tc_dist_body(%arg0: i32, %arg1: memref<1x64x1024xf32, #tpu.memory_space<vmem>>, %arg2: memref<64x1024xf32, #tpu.memory_space<vmem>>, %arg3: memref<4x2x128xi32, #tpu.memory_space<vmem>>, %arg4: memref<1024x128xf32, #tpu.memory_space<vmem>>, %arg5: memref<1x1xf32, #tpu.memory_space<smem>>, %arg6: memref<1x1xf32, #tpu.memory_space<smem>>) attributes {dimension_semantics = [#tpu.dimension_semantics<arbitrary>], iteration_bounds = array<i64: 8>, scalar_prefetch = 0 : i64, scratch_operands = 1 : i64, tpu.core_type = #tpu.core_type<tc>, window_params = [{transform_indices = @transform_0, window_bounds = array<i64: 1, 64, 1024>}, {pipeline_mode = #tpu.pipeline_mode<synchronous>, transform_indices = @transform_1, window_bounds = array<i64: 64, 1024>}, {transform_indices = @transform_2, window_bounds = array<i64: 4, 2, 128>}, {pipeline_mode = #tpu.pipeline_mode<synchronous>, transform_indices = @transform_3, window_bounds = array<i64: 1024, 128>}, {transform_indices = @transform_4, window_bounds = array<i64: 1, 1>}]} {
    %get3A = arith.constant 0 : index
    %get3A_0 = arith.constant 0 : index
    %get3A_1 = arith.constant 0 : index
    %get3A_2 = vector.load %arg1[%get3A, %get3A_0, %get3A_1] : memref<1x64x1024xf32, #tpu.memory_space<vmem>>, vector<1x64x1024xf32>
    %get3A_3 = vector.shape_cast %get3A_2 : vector<1x64x1024xf32> to vector<64x1024xf32>
    %get3A_4 = arith.constant 0 : index
    %get3A_5 = arith.constant 0 : index
    %get3A_6 = vector.load %arg2[%get3A_4, %get3A_5] : memref<64x1024xf32, #tpu.memory_space<vmem>>, vector<64x1024xf32>
    %dot_general3A = arith.constant dense<0.000000e+00> : vector<1024x1024xf32>
    %dot_general3A_7 = tpu.matmul %get3A_3, %get3A_6, %dot_general3A {dimension_numbers = #tpu.dot_dimension_numbers<[0], [0], [1], [1], [0, 1, 1, 1], [], []>, transpose_lhs_hint = false} : vector<64x1024xf32>, vector<64x1024xf32>, vector<1024x1024xf32> -> vector<1024x1024xf32>
    %mul3A = arith.mulf %get3A_3, %get3A_3 : vector<64x1024xf32>
    %reduce_sum3A = arith.constant dense<0.000000e+00> : vector<1024xf32>
    %reduce_sum3A_8 = vector.multi_reduction <add>, %mul3A, %reduce_sum3A [0] : vector<64x1024xf32> to vector<1024xf32>
    %mul3A_9 = arith.mulf %get3A_6, %get3A_6 : vector<64x1024xf32>
    %reduce_sum3A_10 = arith.constant dense<0.000000e+00> : vector<1024xf32>
    %reduce_sum3A_11 = vector.multi_reduction <add>, %mul3A_9, %reduce_sum3A_10 [0] : vector<64x1024xf32> to vector<1024xf32>
    %broadcast_in_dim3A = vector.shape_cast %reduce_sum3A_8 : vector<1024xf32> to vector<1024x1xf32>
    %mul3A_12 = arith.constant 2.000000e+00 : f32
    %mul3A_13 = vector.broadcast %mul3A_12 : f32 to vector<1024x1024xf32>
    %mul3A_14 = arith.mulf %mul3A_13, %dot_general3A_7 : vector<1024x1024xf32>
    %sub3A = vector.broadcast %broadcast_in_dim3A : vector<1024x1xf32> to vector<1024x1024xf32>
    %sub3A_15 = arith.subf %sub3A, %mul3A_14 : vector<1024x1024xf32>
    %broadcast_in_dim3A_16 = vector.shape_cast %reduce_sum3A_11 : vector<1024xf32> to vector<1x1024xf32>
    %add3A = vector.broadcast %broadcast_in_dim3A_16 : vector<1x1024xf32> to vector<1024x1024xf32>
    %add3A_17 = arith.addf %sub3A_15, %add3A : vector<1024x1024xf32>
    %reduce_min3A = arith.constant dense<0x7F800000> : vector<1024xf32>
    %reduce_min3A_18 = vector.multi_reduction <minimumf>, %add3A_17, %reduce_min3A [1] : vector<1024x1024xf32> to vector<1024xf32>
    %iota3A = tpu.iota {dimensions = array<i32: 1>} : vector<1024x1024xi32>
    %convert_element_type3A = arith.sitofp %iota3A : vector<1024x1024xi32> to vector<1024x1024xf32>
    %broadcast_in_dim3A_19 = vector.shape_cast %reduce_min3A_18 : vector<1024xf32> to vector<1024x1xf32>
    %eq3A = vector.broadcast %broadcast_in_dim3A_19 : vector<1024x1xf32> to vector<1024x1024xf32>
    %eq3A_20 = arith.cmpf oeq, %add3A_17, %eq3A : vector<1024x1024xf32>
    %jit3A = arith.constant 1.024000e+03 : f32
    %broadcast_in_dim3A_21 = vector.broadcast %jit3A : f32 to vector<1024x1024xf32>
    %select_n3A = arith.select %eq3A_20, %convert_element_type3A, %broadcast_in_dim3A_21 : vector<1024x1024xi1>, vector<1024x1024xf32>
    %reduce_min3A_22 = arith.constant dense<0x7F800000> : vector<1024xf32>
    %reduce_min3A_23 = vector.multi_reduction <minimumf>, %select_n3A, %reduce_min3A_22 [1] : vector<1024x1024xf32> to vector<1024xf32>
    %convert_element_type3A_24 = arith.fptosi %reduce_min3A_23 : vector<1024xf32> to vector<1024xi32>
    %reshape3A = vector.shape_cast %convert_element_type3A_24 : vector<1024xi32> to vector<4x2x128xi32>
    %swap3A = arith.constant 0 : index
    %swap3A_25 = arith.constant 0 : index
    %swap3A_26 = arith.constant 0 : index
    %swap3A_27 = vector.load %arg3[%swap3A, %swap3A_25, %swap3A_26] : memref<4x2x128xi32, #tpu.memory_space<vmem>>, vector<4x2x128xi32>
    tpu.vector_store %arg3[%swap3A, %swap3A_25, %swap3A_26], %reshape3A {strides = array<i32>} : memref<4x2x128xi32, #tpu.memory_space<vmem>>, vector<4x2x128xi32>,
    %reduce_sum3A_28 = vector.shape_cast %reduce_min3A_18 : vector<1024xf32> to vector<1x1024xf32>
    %reduce_sum3A_29 = arith.constant dense<0.000000e+00> : vector<1xf32>
    %reduce_sum3A_30 = vector.multi_reduction <add>, %reduce_sum3A_28, %reduce_sum3A_29 [1] : vector<1x1024xf32> to vector<1xf32>
    %reduce_sum3A_31 = vector.shape_cast %reduce_sum3A_30 : vector<1xf32> to vector<1x1xf32>
    %reduce_sum3A_32 = vector.extract %reduce_sum3A_31[0, 0] : f32 from vector<1x1xf32>
    %eq3A_33 = arith.constant 0 : i32
    %eq3A_34 = arith.cmpi eq, %arg0, %eq3A_33 : i32
    %convert_element_type3A_35 = arith.extui %eq3A_34 : i1 to i32
    %cond3A = arith.constant 0 : i32
    %cond3A_36 = arith.cmpi ne, %convert_element_type3A_35, %cond3A : i32
    scf.if %cond3A_36 {
      %swap3A_49 = arith.constant 0.000000e+00 : f32
      %swap3A_50 = arith.constant 0 : index
      %swap3A_51 = arith.constant 0 : index
      %swap3A_52 = memref.load %arg6[%swap3A_50, %swap3A_51] : memref<1x1xf32, #tpu.memory_space<smem>>
      memref.store %swap3A_49, %arg6[%swap3A_50, %swap3A_51] : memref<1x1xf32, #tpu.memory_space<smem>>
      %transpose3A = tpu.transpose %get3A_6, [1, 0] : vector<64x1024xf32> -> vector<1024x64xf32>
      %broadcast_in_dim3A_53 = arith.constant 0.000000e+00 : f32
      %broadcast_in_dim3A_54 = vector.broadcast %broadcast_in_dim3A_53 : f32 to vector<1024x64xf32>
      %concatenate3A = tpu.concatenate %transpose3A, %broadcast_in_dim3A_54 in 1 : vector<1024x64xf32>, vector<1024x64xf32> -> vector<1024x128xf32>
      %swap3A_55 = arith.constant 0 : index
      %swap3A_56 = arith.constant 0 : index
      %swap3A_57 = vector.load %arg4[%swap3A_55, %swap3A_56] : memref<1024x128xf32, #tpu.memory_space<vmem>>, vector<1024x128xf32>
      tpu.vector_store %arg4[%swap3A_55, %swap3A_56], %concatenate3A {strides = array<i32>} : memref<1024x128xf32, #tpu.memory_space<vmem>>, vector<1024x128xf32>,
    } else {
    }
    %get3A_37 = arith.constant 0 : index
    %get3A_38 = arith.constant 0 : index
    %get3A_39 = memref.load %arg6[%get3A_37, %get3A_38] : memref<1x1xf32, #tpu.memory_space<smem>>
    %add3A_40 = arith.addf %get3A_39, %reduce_sum3A_32 : f32
    %swap3A_41 = arith.constant 0 : index
    %swap3A_42 = arith.constant 0 : index
    %swap3A_43 = memref.load %arg6[%swap3A_41, %swap3A_42] : memref<1x1xf32, #tpu.memory_space<smem>>
    memref.store %add3A_40, %arg6[%swap3A_41, %swap3A_42] : memref<1x1xf32, #tpu.memory_space<smem>>
    %eq3A_44 = arith.constant 7 : i32
    %eq3A_45 = arith.cmpi eq, %arg0, %eq3A_44 : i32
    %convert_element_type3A_46 = arith.extui %eq3A_45 : i1 to i32
    %cond3A_47 = arith.constant 0 : i32
    %cond3A_48 = arith.cmpi ne, %convert_element_type3A_46, %cond3A_47 : i32
    scf.if %cond3A_48 {
      %get3A_49 = arith.constant 0 : index
      %get3A_50 = arith.constant 0 : index
      %get3A_51 = memref.load %arg6[%get3A_49, %get3A_50] : memref<1x1xf32, #tpu.memory_space<smem>>
      %swap3A_52 = arith.constant 0 : index
      %swap3A_53 = arith.constant 0 : index
      %swap3A_54 = memref.load %arg5[%swap3A_52, %swap3A_53] : memref<1x1xf32, #tpu.memory_space<smem>>
      memref.store %get3A_51, %arg5[%swap3A_52, %swap3A_53] : memref<1x1xf32, #tpu.memory_space<smem>>
    } else {
    }
    return
  }
  func.func @transform_0(%arg0: i32) -> (i32, i32, i32) {
    %c0_i32 = arith.constant 0 : i32
    %c0_i32_0 = arith.constant 0 : i32
    %c0_i32_1 = arith.constant 0 : i32
    return %arg0, %c0_i32, %c0_i32_0 : i32, i32, i32
  }
  func.func @transform_1(%arg0: i32) -> (i32, i32) {
    %c0_i32 = arith.constant 0 : i32
    %c0_i32_0 = arith.constant 0 : i32
    %c0_i32_1 = arith.constant 0 : i32
    return %c0_i32, %c0_i32_0 : i32, i32
  }
  func.func @transform_2(%arg0: i32) -> (i32, i32, i32) {
    %c0_i32 = arith.constant 0 : i32
    %c0_i32_0 = arith.constant 0 : i32
    %c0_i32_1 = arith.constant 0 : i32
    return %arg0, %c0_i32, %c0_i32_0 : i32, i32, i32
  }
  func.func @transform_3(%arg0: i32) -> (i32, i32) {
    %c0_i32 = arith.constant 0 : i32
    %c0_i32_0 = arith.constant 0 : i32
    %c0_i32_1 = arith.constant 0 : i32
    return %c0_i32, %c0_i32_0 : i32, i32
  }
  func.func @transform_4(%arg0: i32) -> (i32, i32) {
    %c0_i32 = arith.constant 0 : i32
    %c0_i32_0 = arith.constant 0 : i32
    %c0_i32_1 = arith.constant 0 : i32
    return %c0_i32, %c0_i32_0 : i32, i32
  }
}

module attributes {stable_mosaic.version = 14 : i64} {
  func.func @_tc_dist_body(%arg0: i32, %arg1: memref<1x64x1024xf32, #tpu.memory_space<vmem>>, %arg2: memref<64x1024xf32, #tpu.memory_space<vmem>>, %arg3: memref<4x2x128xi32, #tpu.memory_space<vmem>>, %arg4: memref<1024x128xf32, #tpu.memory_space<vmem>>, %arg5: memref<1x1xf32, #tpu.memory_space<smem>>, %arg6: memref<1x1xf32, #tpu.memory_space<smem>>) attributes {dimension_semantics = [#tpu.dimension_semantics<arbitrary>], iteration_bounds = array<i64: 8>, scalar_prefetch = 0 : i64, scratch_operands = 1 : i64, tpu.core_type = #tpu.core_type<tc>, window_params = [{transform_indices = @transform_0, window_bounds = array<i64: 1, 64, 1024>}, {pipeline_mode = #tpu.pipeline_mode<synchronous>, transform_indices = @transform_1, window_bounds = array<i64: 64, 1024>}, {transform_indices = @transform_2, window_bounds = array<i64: 4, 2, 128>}, {pipeline_mode = #tpu.pipeline_mode<synchronous>, transform_indices = @transform_3, window_bounds = array<i64: 1024, 128>}, {transform_indices = @transform_4, window_bounds = array<i64: 1, 1>}]} {
    %get3A = arith.constant 0 : index
    %get3A_0 = arith.constant 0 : index
    %get3A_1 = arith.constant 0 : index
    %get3A_2 = vector.load %arg1[%get3A, %get3A_0, %get3A_1] : memref<1x64x1024xf32, #tpu.memory_space<vmem>>, vector<1x64x1024xf32>
    %get3A_3 = vector.shape_cast %get3A_2 : vector<1x64x1024xf32> to vector<64x1024xf32>
    %get3A_4 = arith.constant 0 : index
    %get3A_5 = arith.constant 0 : index
    %get3A_6 = vector.load %arg2[%get3A_4, %get3A_5] : memref<64x1024xf32, #tpu.memory_space<vmem>>, vector<64x1024xf32>
    %dot_general3A = arith.constant dense<0.000000e+00> : vector<1024x1024xf32>
    %dot_general3A_7 = tpu.matmul %get3A_3, %get3A_6, %dot_general3A {dimension_numbers = #tpu.dot_dimension_numbers<[0], [0], [1], [1], [0, 1, 1, 1], [], []>, transpose_lhs_hint = false} : vector<64x1024xf32>, vector<64x1024xf32>, vector<1024x1024xf32> -> vector<1024x1024xf32>
    %mul3A = arith.mulf %get3A_3, %get3A_3 : vector<64x1024xf32>
    %reduce_sum3A = arith.constant dense<0.000000e+00> : vector<1024xf32>
    %reduce_sum3A_8 = vector.multi_reduction <add>, %mul3A, %reduce_sum3A [0] : vector<64x1024xf32> to vector<1024xf32>
    %mul3A_9 = arith.mulf %get3A_6, %get3A_6 : vector<64x1024xf32>
    %reduce_sum3A_10 = arith.constant dense<0.000000e+00> : vector<1024xf32>
    %reduce_sum3A_11 = vector.multi_reduction <add>, %mul3A_9, %reduce_sum3A_10 [0] : vector<64x1024xf32> to vector<1024xf32>
    %broadcast_in_dim3A = vector.shape_cast %reduce_sum3A_8 : vector<1024xf32> to vector<1024x1xf32>
    %mul3A_12 = arith.constant 2.000000e+00 : f32
    %mul3A_13 = vector.broadcast %mul3A_12 : f32 to vector<1024x1024xf32>
    %mul3A_14 = arith.mulf %mul3A_13, %dot_general3A_7 : vector<1024x1024xf32>
    %sub3A = vector.broadcast %broadcast_in_dim3A : vector<1024x1xf32> to vector<1024x1024xf32>
    %sub3A_15 = arith.subf %sub3A, %mul3A_14 : vector<1024x1024xf32>
    %broadcast_in_dim3A_16 = vector.shape_cast %reduce_sum3A_11 : vector<1024xf32> to vector<1x1024xf32>
    %add3A = vector.broadcast %broadcast_in_dim3A_16 : vector<1x1024xf32> to vector<1024x1024xf32>
    %add3A_17 = arith.addf %sub3A_15, %add3A : vector<1024x1024xf32>
    %reduce_min3A = arith.constant dense<0x7F800000> : vector<1024xf32>
    %reduce_min3A_18 = vector.multi_reduction <minimumf>, %add3A_17, %reduce_min3A [1] : vector<1024x1024xf32> to vector<1024xf32>
    %iota3A = tpu.iota {dimensions = array<i32: 1>} : vector<1024x1024xi32>
    %convert_element_type3A = arith.sitofp %iota3A : vector<1024x1024xi32> to vector<1024x1024xf32>
    %broadcast_in_dim3A_19 = vector.shape_cast %reduce_min3A_18 : vector<1024xf32> to vector<1024x1xf32>
    %eq3A = vector.broadcast %broadcast_in_dim3A_19 : vector<1024x1xf32> to vector<1024x1024xf32>
    %eq3A_20 = arith.cmpf oeq, %add3A_17, %eq3A : vector<1024x1024xf32>
    %jit3A = arith.constant 1.024000e+03 : f32
    %broadcast_in_dim3A_21 = vector.broadcast %jit3A : f32 to vector<1024x1024xf32>
    %select_n3A = arith.select %eq3A_20, %convert_element_type3A, %broadcast_in_dim3A_21 : vector<1024x1024xi1>, vector<1024x1024xf32>
    %reduce_min3A_22 = arith.constant dense<0x7F800000> : vector<1024xf32>
    %reduce_min3A_23 = vector.multi_reduction <minimumf>, %select_n3A, %reduce_min3A_22 [1] : vector<1024x1024xf32> to vector<1024xf32>
    %convert_element_type3A_24 = arith.fptosi %reduce_min3A_23 : vector<1024xf32> to vector<1024xi32>
    %reshape3A = vector.shape_cast %convert_element_type3A_24 : vector<1024xi32> to vector<4x2x128xi32>
    %swap3A = arith.constant 0 : index
    %swap3A_25 = arith.constant 0 : index
    %swap3A_26 = arith.constant 0 : index
    %swap3A_27 = vector.load %arg3[%swap3A, %swap3A_25, %swap3A_26] : memref<4x2x128xi32, #tpu.memory_space<vmem>>, vector<4x2x128xi32>
    tpu.vector_store %arg3[%swap3A, %swap3A_25, %swap3A_26], %reshape3A {strides = array<i32>} : memref<4x2x128xi32, #tpu.memory_space<vmem>>, vector<4x2x128xi32>,
    %reduce_sum3A_28 = vector.shape_cast %reduce_min3A_18 : vector<1024xf32> to vector<1x1024xf32>
    %reduce_sum3A_29 = arith.constant dense<0.000000e+00> : vector<1xf32>
    %reduce_sum3A_30 = vector.multi_reduction <add>, %reduce_sum3A_28, %reduce_sum3A_29 [1] : vector<1x1024xf32> to vector<1xf32>
    %reduce_sum3A_31 = vector.shape_cast %reduce_sum3A_30 : vector<1xf32> to vector<1x1xf32>
    %reduce_sum3A_32 = vector.extract %reduce_sum3A_31[0, 0] : f32 from vector<1x1xf32>
    %eq3A_33 = arith.constant 0 : i32
    %eq3A_34 = arith.cmpi eq, %arg0, %eq3A_33 : i32
    %convert_element_type3A_35 = arith.extui %eq3A_34 : i1 to i32
    %cond3A = arith.constant 0 : i32
    %cond3A_36 = arith.cmpi ne, %convert_element_type3A_35, %cond3A : i32
    scf.if %cond3A_36 {
      %swap3A_49 = arith.constant 0.000000e+00 : f32
      %swap3A_50 = arith.constant 0 : index
      %swap3A_51 = arith.constant 0 : index
      %swap3A_52 = memref.load %arg6[%swap3A_50, %swap3A_51] : memref<1x1xf32, #tpu.memory_space<smem>>
      memref.store %swap3A_49, %arg6[%swap3A_50, %swap3A_51] : memref<1x1xf32, #tpu.memory_space<smem>>
      %transpose3A = tpu.transpose %get3A_6, [1, 0] : vector<64x1024xf32> -> vector<1024x64xf32>
      %broadcast_in_dim3A_53 = arith.constant 0.000000e+00 : f32
      %broadcast_in_dim3A_54 = vector.broadcast %broadcast_in_dim3A_53 : f32 to vector<1024x64xf32>
      %concatenate3A = tpu.concatenate %transpose3A, %broadcast_in_dim3A_54 in 1 : vector<1024x64xf32>, vector<1024x64xf32> -> vector<1024x128xf32>
      %swap3A_55 = arith.constant 0 : index
      %swap3A_56 = arith.constant 0 : index
      %swap3A_57 = vector.load %arg4[%swap3A_55, %swap3A_56] : memref<1024x128xf32, #tpu.memory_space<vmem>>, vector<1024x128xf32>
      tpu.vector_store %arg4[%swap3A_55, %swap3A_56], %concatenate3A {strides = array<i32>} : memref<1024x128xf32, #tpu.memory_space<vmem>>, vector<1024x128xf32>,
    } else {
    }
    %get3A_37 = arith.constant 0 : index
    %get3A_38 = arith.constant 0 : index
    %get3A_39 = memref.load %arg6[%get3A_37, %get3A_38] : memref<1x1xf32, #tpu.memory_space<smem>>
    %add3A_40 = arith.addf %get3A_39, %reduce_sum3A_32 : f32
    %swap3A_41 = arith.constant 0 : index
    %swap3A_42 = arith.constant 0 : index
    %swap3A_43 = memref.load %arg6[%swap3A_41, %swap3A_42] : memref<1x1xf32, #tpu.memory_space<smem>>
    memref.store %add3A_40, %arg6[%swap3A_41, %swap3A_42] : memref<1x1xf32, #tpu.memory_space<smem>>
    %eq3A_44 = arith.constant 7 : i32
    %eq3A_45 = arith.cmpi eq, %arg0, %eq3A_44 : i32
    %convert_element_type3A_46 = arith.extui %eq3A_45 : i1 to i32
    %cond3A_47 = arith.constant 0 : i32
    %cond3A_48 = arith.cmpi ne, %convert_element_type3A_46, %cond3A_47 : i32
    scf.if %cond3A_48 {
      %get3A_49 = arith.constant 0 : index
      %get3A_50 = arith.constant 0 : index
      %get3A_51 = memref.load %arg6[%get3A_49, %get3A_50] : memref<1x1xf32, #tpu.memory_space<smem>>
      %swap3A_52 = arith.constant 0 : index
      %swap3A_53 = arith.constant 0 : index
      %swap3A_54 = memref.load %arg5[%swap3A_52, %swap3A_53] : memref<1x1xf32, #tpu.memory_space<smem>>
      memref.store %get3A_51, %arg5[%swap3A_52, %swap3A_53] : memref<1x1xf32, #tpu.memory_space<smem>>
    } else {
    }
    return
  }
  func.func @transform_0(%arg0: i32) -> (i32, i32, i32) {
    %c0_i32 = arith.constant 0 : i32
    %c0_i32_0 = arith.constant 0 : i32
    %c0_i32_1 = arith.constant 0 : i32
    return %arg0, %c0_i32, %c0_i32_0 : i32, i32, i32
  }
  func.func @transform_1(%arg0: i32) -> (i32, i32) {
    %c0_i32 = arith.constant 0 : i32
    %c0_i32_0 = arith.constant 0 : i32
    %c0_i32_1 = arith.constant 0 : i32
    return %c0_i32, %c0_i32_0 : i32, i32
  }
  func.func @transform_2(%arg0: i32) -> (i32, i32, i32) {
    %c0_i32 = arith.constant 0 : i32
    %c0_i32_0 = arith.constant 0 : i32
    %c0_i32_1 = arith.constant 0 : i32
    return %arg0, %c0_i32, %c0_i32_0 : i32, i32, i32
  }
  func.func @transform_3(%arg0: i32) -> (i32, i32) {
    %c0_i32 = arith.constant 0 : i32
    %c0_i32_0 = arith.constant 0 : i32
    %c0_i32_1 = arith.constant 0 : i32
    return %c0_i32, %c0_i32_0 : i32, i32
  }
  func.func @transform_4(%arg0: i32) -> (i32, i32) {
    %c0_i32 = arith.constant 0 : i32
    %c0_i32_0 = arith.constant 0 : i32
    %c0_i32_1 = arith.constant 0 : i32
    return %c0_i32, %c0_i32_0 : i32, i32
  }
}

module attributes {stable_mosaic.version = 14 : i64} {
  func.func @_tc_finb_body(%arg0: i32, %arg1: memref<2048x128xf32, #tpu.memory_space<vmem>>, %arg2: memref<2x1024xf32, #tpu.memory_space<vmem>>, %arg3: memref<2x1024xf32, #tpu.memory_space<vmem>>, %arg4: memref<1x1xf32, #tpu.memory_space<smem>>, %arg5: memref<1x1xf32, #tpu.memory_space<smem>>, %arg6: memref<16x64x1024xf32, #tpu.memory_space<any>>, %arg7: memref<2x64x1024xf32, #tpu.memory_space<vmem>>, %arg8: memref<1x1xf32, #tpu.memory_space<smem>>, %arg9: memref<1x1xf32, #tpu.memory_space<smem>>) attributes {dimension_semantics = [#tpu.dimension_semantics<arbitrary>], iteration_bounds = array<i64: 4>, scalar_prefetch = 0 : i64, scratch_operands = 0 : i64, tpu.core_type = #tpu.core_type<tc>, window_params = [{transform_indices = @transform_0, window_bounds = array<i64: 2048, 128>}, {pipeline_mode = #tpu.pipeline_mode<synchronous>, transform_indices = @transform_1, window_bounds = array<i64: 2, 1024>}, {pipeline_mode = #tpu.pipeline_mode<synchronous>, transform_indices = @transform_2, window_bounds = array<i64: 2, 1024>}, {transform_indices = @transform_3, window_bounds = array<i64: 1, 1>}, {transform_indices = @transform_4, window_bounds = array<i64: 1, 1>}, {}, {transform_indices = @transform_6, window_bounds = array<i64: 2, 64, 1024>}, {transform_indices = @transform_7, window_bounds = array<i64: 1, 1>}, {transform_indices = @transform_8, window_bounds = array<i64: 1, 1>}]} {
    %get3A = arith.constant 0 : index
    %get3A_0 = arith.constant 0 : index
    %get3A_1 = vector.load %arg1[%get3A, %get3A_0] : memref<2048x128xf32, #tpu.memory_space<vmem>>, vector<1024x64xf32>
    %transpose3A = tpu.transpose %get3A_1, [1, 0] : vector<1024x64xf32> -> vector<64x1024xf32>
    %swap3A = arith.constant 0 : index
    %swap3A_2 = arith.constant 0 : index
    %swap3A_3 = arith.constant 0 : index
    %swap3A_4 = vector.load %arg7[%swap3A, %swap3A_2, %swap3A_3] : memref<2x64x1024xf32, #tpu.memory_space<vmem>>, vector<1x64x1024xf32>
    %swap3A_5 = vector.shape_cast %swap3A_4 : vector<1x64x1024xf32> to vector<64x1024xf32>
    %swap3A_6 = vector.shape_cast %transpose3A : vector<64x1024xf32> to vector<1x64x1024xf32>
    tpu.vector_store %arg7[%swap3A, %swap3A_2, %swap3A_3], %swap3A_6 {strides = array<i32>} : memref<2x64x1024xf32, #tpu.memory_space<vmem>>, vector<1x64x1024xf32>,
    %get3A_7 = arith.constant 1024 : index
    %get3A_8 = arith.constant 0 : index
    %get3A_9 = vector.load %arg1[%get3A_7, %get3A_8] : memref<2048x128xf32, #tpu.memory_space<vmem>>, vector<1024x64xf32>
    %transpose3A_10 = tpu.transpose %get3A_9, [1, 0] : vector<1024x64xf32> -> vector<64x1024xf32>
    %swap3A_11 = arith.constant 1 : index
    %swap3A_12 = arith.constant 0 : index
    %swap3A_13 = arith.constant 0 : index
    %swap3A_14 = vector.load %arg7[%swap3A_11, %swap3A_12, %swap3A_13] : memref<2x64x1024xf32, #tpu.memory_space<vmem>>, vector<1x64x1024xf32>
    %swap3A_15 = vector.shape_cast %swap3A_14 : vector<1x64x1024xf32> to vector<64x1024xf32>
    %swap3A_16 = vector.shape_cast %transpose3A_10 : vector<64x1024xf32> to vector<1x64x1024xf32>
    tpu.vector_store %arg7[%swap3A_11, %swap3A_12, %swap3A_13], %swap3A_16 {strides = array<i32>} : memref<2x64x1024xf32, #tpu.memory_space<vmem>>, vector<1x64x1024xf32>,
    %eq3A = arith.constant 3 : i32
    %eq3A_17 = arith.cmpi eq, %arg0, %eq3A : i32
    %convert_element_type3A = arith.extui %eq3A_17 : i1 to i32
    %cond3A = arith.constant 0 : i32
    %cond3A_18 = arith.cmpi ne, %convert_element_type3A, %cond3A : i32
    scf.if %cond3A_18 {
      %get3A_19 = arith.constant 0 : index
      %get3A_20 = arith.constant 0 : index
      %get3A_21 = memref.load %arg4[%get3A_19, %get3A_20] : memref<1x1xf32, #tpu.memory_space<smem>>
      %get3A_22 = arith.constant 0 : index
      %get3A_23 = arith.constant 0 : index
      %get3A_24 = memref.load %arg5[%get3A_22, %get3A_23] : memref<1x1xf32, #tpu.memory_space<smem>>
      %add3A = arith.addf %get3A_21, %get3A_24 : f32
      %mul3A = arith.constant 1.1920929E-6 : f32
      %mul3A_25 = arith.mulf %mul3A, %add3A : f32
      %swap3A_26 = arith.constant 0 : index
      %swap3A_27 = arith.constant 0 : index
      %swap3A_28 = memref.load %arg8[%swap3A_26, %swap3A_27] : memref<1x1xf32, #tpu.memory_space<smem>>
      memref.store %mul3A_25, %arg8[%swap3A_26, %swap3A_27] : memref<1x1xf32, #tpu.memory_space<smem>>
      %get3A_29 = arith.constant 0 : index
      %get3A_30 = arith.constant 0 : index
      %get3A_31 = vector.load %arg2[%get3A_29, %get3A_30] : memref<2x1024xf32, #tpu.memory_space<vmem>>, vector<2x1024xf32>
      %get3A_32 = arith.constant 0 : index
      %get3A_33 = arith.constant 0 : index
      %get3A_34 = vector.load %arg3[%get3A_32, %get3A_33] : memref<2x1024xf32, #tpu.memory_space<vmem>>, vector<2x1024xf32>
      %add3A_35 = arith.addf %get3A_31, %get3A_34 : vector<2x1024xf32>
      %reduce_sum3A = arith.constant dense<0.000000e+00> : vector<1024xf32>
      %reduce_sum3A_36 = vector.multi_reduction <add>, %add3A_35, %reduce_sum3A [0] : vector<2x1024xf32> to vector<1024xf32>
      %mul3A_37 = arith.constant 6.10351563E-5 : f32
      %mul3A_38 = vector.broadcast %mul3A_37 : f32 to vector<1024xf32>
      %mul3A_39 = arith.mulf %reduce_sum3A_36, %mul3A_38 : vector<1024xf32>
      %add3A_40 = arith.constant 1.000000e-10 : f32
      %add3A_41 = vector.broadcast %add3A_40 : f32 to vector<1024xf32>
      %add3A_42 = arith.addf %mul3A_39, %add3A_41 : vector<1024xf32>
      %log3A = math.log %add3A_42 : vector<1024xf32>
      %neg3A = arith.constant 0.000000e+00 : f32
      %neg3A_43 = vector.broadcast %neg3A : f32 to vector<1024xf32>
      %neg3A_44 = arith.subf %neg3A_43, %log3A : vector<1024xf32>
      %mul3A_45 = arith.mulf %mul3A_39, %neg3A_44 : vector<1024xf32>
      %reduce_sum3A_46 = vector.shape_cast %mul3A_45 : vector<1024xf32> to vector<1x1024xf32>
      %reduce_sum3A_47 = arith.constant dense<0.000000e+00> : vector<1xf32>
      %reduce_sum3A_48 = vector.multi_reduction <add>, %reduce_sum3A_46, %reduce_sum3A_47 [1] : vector<1x1024xf32> to vector<1xf32>
      %reduce_sum3A_49 = vector.shape_cast %reduce_sum3A_48 : vector<1xf32> to vector<1x1xf32>
      %reduce_sum3A_50 = vector.extract %reduce_sum3A_49[0, 0] : f32 from vector<1x1xf32>
      %exp3A = math.exp %reduce_sum3A_50 : f32
      %swap3A_51 = arith.constant 0 : index
      %swap3A_52 = arith.constant 0 : index
      %swap3A_53 = memref.load %arg9[%swap3A_51, %swap3A_52] : memref<1x1xf32, #tpu.memory_space<smem>>
      memref.store %exp3A, %arg9[%swap3A_51, %swap3A_52] : memref<1x1xf32, #tpu.memory_space<smem>>
    } else {
    }
    return
  }
  func.func @transform_0(%arg0: i32) -> (i32, i32) {
    %c0_i32 = arith.constant 0 : i32
    %c0_i32_0 = arith.constant 0 : i32
    return %arg0, %c0_i32 : i32, i32
  }
  func.func @transform_1(%arg0: i32) -> (i32, i32) {
    %c0_i32 = arith.constant 0 : i32
    %c0_i32_0 = arith.constant 0 : i32
    %c0_i32_1 = arith.constant 0 : i32
    return %c0_i32, %c0_i32_0 : i32, i32
  }
  func.func @transform_2(%arg0: i32) -> (i32, i32) {
    %c0_i32 = arith.constant 0 : i32
    %c0_i32_0 = arith.constant 0 : i32
    %c0_i32_1 = arith.constant 0 : i32
    return %c0_i32, %c0_i32_0 : i32, i32
  }
  func.func @transform_3(%arg0: i32) -> (i32, i32) {
    %c0_i32 = arith.constant 0 : i32
    %c0_i32_0 = arith.constant 0 : i32
    %c0_i32_1 = arith.constant 0 : i32
    return %c0_i32, %c0_i32_0 : i32, i32
  }
  func.func @transform_4(%arg0: i32) -> (i32, i32) {
    %c0_i32 = arith.constant 0 : i32
    %c0_i32_0 = arith.constant 0 : i32
    %c0_i32_1 = arith.constant 0 : i32
    return %c0_i32, %c0_i32_0 : i32, i32
  }
  func.func @transform_6(%arg0: i32) -> (i32, i32, i32) {
    %add3A = arith.constant 4 : i32
    %add3A_0 = arith.addi %arg0, %add3A : i32
    %c0_i32 = arith.constant 0 : i32
    %c0_i32_1 = arith.constant 0 : i32
    %c0_i32_2 = arith.constant 0 : i32
    return %add3A_0, %c0_i32, %c0_i32_1 : i32, i32, i32
  }
  func.func @transform_7(%arg0: i32) -> (i32, i32) {
    %c0_i32 = arith.constant 0 : i32
    %c0_i32_0 = arith.constant 0 : i32
    %c0_i32_1 = arith.constant 0 : i32
    return %c0_i32, %c0_i32_0 : i32, i32
  }
  func.func @transform_8(%arg0: i32) -> (i32, i32) {
    %c0_i32 = arith.constant 0 : i32
    %c0_i32_0 = arith.constant 0 : i32
    %c0_i32_1 = arith.constant 0 : i32
    return %c0_i32, %c0_i32_0 : i32, i32
  }
}

</mosaic_0001>

<sc_bundles>
// kernel: kernel.11.cloned.1.call-start
scs
__scs_entry_jumppad:
0x0: {  	(pc) =	sbr.rel $0x88, $3  }
0x1: {  	(tag) =	ssettag $0x0;
	lr =	simm.s32 $0x1  }
0x2: {  	[smem:$0x3F9F] =	sst lr;
	_ =	strace $0xD0000000  }
0x3: {  	_ = 	snop  }
0x4: {  	_ = 	snop  }
0x5: {  	_ = 	snop  }
0x6: {  	_ = 	snop  }
0x7: {  	_ = 	snop  }
__scs_overlays_trampoline_lowered:
0x8: {  	[smem:$0x3FAE] =	sst s0  }
0x9: {  	[smem:$0x3FAF] =	sst s1  }
0xa: {  	[smem:$0x3FB0] =	sst s2  }
0xb: {  	[smem:$0x3FB1] =	sst s3  }
0xc: {  	[smem:$0x3FB2] =	sst s4  }
0xd: {  	[smem:$0x3FB3] =	sst s5  }
0xe: {  	[smem:$0x3FB4] =	sst s6  }
0xf: {  	[smem:$0x3FB5] =	sst s7  }
0x10: {  	[smem:$0x3FB6] =	sst s8  }
0x11: {  	[smem:$0x3FB7] =	sst s9;
	s0 =	simm.s32 @!p0 $0x0  }
0x12: {  	s1 =	sld [smem:$0x3F9D];
	s0 =	simm.s32 @p0 $0x1  }
0x13: {  	[smem:$0x3FB8] =	sst s0;
	s0 =	simm.s32 @!p1 $0x0  }
0x14: {  	s2 =	sld [smem:$0x3F9C];
	s0 =	simm.s32 @p1 $0x1  }
0x15: {  	[smem:$0x3FB9] =	sst s0;
	s0 =	simm.s32 @!p2 $0x0  }
0x16: {  	s3 =	sld [smem:$0x3FDB];
	s0 =	simm.s32 @p2 $0x1  }
0x17: {  	s4 =	simm.s32 $0x1BF5;
	[smem:$0x3FBB] =	sst s0  }
0x18: {  	s0 =	sld [smem:$0x3F9E];
	_ =	swait.ge [sflag:s4], $0x0  }
0x19: {  	s7 =	sld [smem:$0x3F9F]  }
0x1a: {  	s8 =	sadd.s32 $0xFFFFE003, lr  }
0x1b: {  	s9 =	sadd.s32 $0xFFFFFEF7, lr;
	s5 =	simm.s32 $0xFFFFFFFF;
	p2 =	slt.u32 s8, $0xFFFFF086  }
0x1c: {  	p1 =	slt.u32 s9, $0xF7A;
	s5 =	simm.s32 @!p2 $0x0  }
0x1d: {  	s5 =	simm.s32 @p1 $0x1;
	p0 =	seq.s32 s7, s2  }
0x1e: {  	s7 =	smul.u32 @!p0 $0xF7A, s2;
	p2 =	seq.s32 @!p0 s5, $0x0  }
0x1f: {  	s9 =	smul.u32 $0xF7A, s1;
	s8 =	simm.s32 @!p0 $0x1BF5;
	p2 =	por !p2, p0  }
0x20: {  	[sflag:s8] =	ssyncset.s32 @!p0 $0xFFFFF086;
	s6 =	sadd.s32 @!p0 s3, s7;
	s7 =	simm.s32 @!p0 $0x108  }
0x21: {  	s3 =	sadd.s32 s3, s9;
	s6 =	sadd.s32 @!p0 $0x88, s6;
	s7 =	simm.s32 @p2 $0x1082  }
0x22: {  	[simem:s7], [sflag:s8] =	dma.local @!p0 [hbm:s6], $0xF7A  }
0x23: {  	s9 =	sor.u32 $0xD0000000, s2;
	s6 =	simm.s32 $0x108;
	_ =	swait.ge @!p0 [sflag:s8], $0x0  }
0x24: {  	s3 =	sadd.s32 $0x88, s3;
	s6 =	simm.s32 @!p1 $0x1082;
	[sflag:s4] =	ssyncset.s32 $0xFFFFF086  }
0x25: {  	[simem:s6], [sflag:s4] =	dma.local [hbm:s3], $0xF7A  }
0x26: {  	[smem:$0x3F9F] =	sst s1;
	(tag) =	ssettag s2;
	_ =	strace s9  }
0x27: {  	s1 =	sld [smem:$0x3FAF]  }
0x28: {  	s2 =	sld [smem:$0x3FB0]  }
0x29: {  	s4 =	sld [smem:$0x3FB2]  }
0x2a: {  	p0 =	seq.s32 s5, $0x0;
	s5 =	sld [smem:$0x3FB3]  }
0x2b: {  	s6 =	sld [smem:$0x3FB4]  }
0x2c: {  	s7 =	sld [smem:$0x3FB5]  }
0x2d: {  	s3 =	simm.s32 $0x108;
	s8 =	sld [smem:$0x3FB6]  }
0x2e: {  	s3 =	simm.s32 @!p0 $0x1082;
	s9 =	sld [smem:$0x3FB7]  }
0x2f: {  	lr =	sadd.s32 s0, s3;
	s0 =	sld [smem:$0x3FAE]  }
0x30: {  	s3 =	sld [smem:$0x3FB1]  }
0x31: {  	[smem:$0x3FBA] =	sst s10  }
0x32: {  	s10 =	sld [smem:$0x3FB8];
	_ =	sdelay $0x3  }
0x33: {  	p0 =	seq.s32 s10, $0x1;
	s10 =	sld [smem:$0x3FBA];
	_ =	sdelay $0x3  }
0x34: {  	[smem:$0x3FBA] =	sst s10  }
0x35: {  	s10 =	sld [smem:$0x3FB9];
	_ =	sdelay $0x3  }
0x36: {  	p1 =	seq.s32 s10, $0x1;
	s10 =	sld [smem:$0x3FBA];
	_ =	sdelay $0x3  }
0x37: {  	[smem:$0x3FBA] =	sst s10  }
0x38: {  	s10 =	sld [smem:$0x3FBB]  }
0x39: {  	_ = 	snop;
	(pc) =	sbr.ind lr, $3  }
0x3a: {  	_ = 	snop  }
0x3b: {  	_ = 	snop  }
0x3c: {  	p2 =	seq.s32 s10, $0x1;
	s10 =	sld [smem:$0x3FBA]  }
0x3d: {  	_ =	shalt  }
0x3e: {  	_ =	shalt  }
0x3f: {  	_ =	shalt  }
0x40: {  	_ =	shalt  }
0x41: {  	_ =	shalt  }
0x42: {  	_ =	shalt  }
0x43: {  	_ =	shalt  }
0x44: {  	_ =	shalt  }
0x45: {  	_ =	shalt  }
0x46: {  	_ =	shalt  }
0x47: {  	_ =	shalt  }
0x48: {  	_ =	shalt  }
0x49: {  	_ =	shalt  }
0x4a: {  	_ =	shalt  }
0x4b: {  	_ =	shalt  }
0x4c: {  	_ =	shalt  }
0x4d: {  	_ =	shalt  }
0x4e: {  	_ =	shalt  }
0x4f: {  	_ =	shalt  }
0x50: {  	_ =	shalt  }
0x51: {  	_ =	shalt  }
0x52: {  	_ =	shalt  }
0x53: {  	_ =	shalt  }
0x54: {  	_ =	shalt  }
0x55: {  	_ =	shalt  }
0x56: {  	_ =	shalt  }
0x57: {  	_ =	shalt  }
0x58: {  	_ =	shalt  }
0x59: {  	_ =	shalt  }
0x5a: {  	_ =	shalt  }
0x5b: {  	_ =	shalt  }
0x5c: {  	_ =	shalt  }
0x5d: {  	_ =	shalt  }
0x5e: {  	_ =	shalt  }
0x5f: {  	_ =	shalt  }
0x60: {  	_ =	shalt  }
0x61: {  	_ =	shalt  }
0x62: {  	_ =	shalt  }
0x63: {  	_ =	shalt  }
0x64: {  	_ =	shalt  }
0x65: {  	_ =	shalt  }
0x66: {  	_ =	shalt  }
0x67: {  	_ =	shalt  }
0x68: {  	_ =	shalt  }
0x69: {  	_ =	shalt  }
0x6a: {  	_ =	shalt  }
0x6b: {  	_ =	shalt  }
0x6c: {  	_ =	shalt  }
0x6d: {  	_ =	shalt  }
0x6e: {  	_ =	shalt  }
0x6f: {  	_ =	shalt  }
0x70: {  	_ =	shalt  }
0x71: {  	_ =	shalt  }
0x72: {  	_ =	shalt  }
0x73: {  	_ =	shalt  }
0x74: {  	_ =	shalt  }
0x75: {  	_ =	shalt  }
0x76: {  	_ =	shalt  }
0x77: {  	_ =	shalt  }
0x78: {  	_ =	shalt  }
0x79: {  	_ =	shalt  }
0x7a: {  	_ =	shalt  }
0x7b: {  	_ =	shalt  }
0x7c: {  	_ =	shalt  }
0x7d: {  	_ =	shalt  }
0x7e: {  	_ =	shalt  }
0x7f: {  	_ =	shalt  }
0x80: {  	_ =	shalt  }
0x81: {  	_ =	shalt  }
0x82: {  	_ =	shalt  }
0x83: {  	_ =	shalt  }
0x84: {  	_ =	shalt  }
0x85: {  	_ =	shalt  }
0x86: {  	_ =	shalt  }
0x87: {  	_ =	shalt  }
.Lfunc_end0:
.L_simem_size_0:
called_computation.1_lowered:
.L_overlay_start_0:
0x88: {  	s2 =	sld [smem:$0x3FD9]  }
0x89: {  	s3 =	sld [smem:$0x3FFE];
	_ =	sdelay $0x1  }
0x8a: {  	s1 =	srdreg.scid  }
0x8b: {  	s0 =	sand.u32 $0x1, s1  }
0x8c: {  	s17 =	sshll.u32 s0, $0xA;
	s2 =	sadd.s32 s3, s2  }
0x8d: {  	s2 =	sadd.s32 s2, s17  }
0x8e: {  	[smem:$0x3FC6] =	sst s2  }
0x8f: {  	_ = 	snop  }
0x90: {  	(tm) =	ssettm $0x1  }
0x91: {  	s18 =	sld [smem:$0x3FFB];
	_ =	sdelay $0x3  }
0x92: {  	_ =	strace s18  }
0x93: {  	s2 =	sld [smem:$0x3FFC];
	_ =	sdelay $0x3  }
0x94: {  	_ =	strace s2  }
0x95: {  	s2 =	sld [smem:$0x3FFD];
	_ =	sdelay $0x3  }
0x96: {  	_ =	strace s2  }
0x97: {  	_ =	strace $0x8FFFFFFF  }
0x98: {  	s19 =	sld [smem:$0x3FDB];
	_ =	sdelay $0x1  }
0x99: {  	s20 =	simm.s32 $_scs_section_size  }
0x9a: {  	s4 =	simm.s32 $_size__tile_overlayer_lowered;
	s5 =	simm.s32 $_tile_overlayer_lowered  }
0x9b: {  	s6 =	simm.s32 $0x1BFF;
	s21 =	sshll.u32 s5, $0x1;
	s3 =	sadd.s32 s20, s19  }
0x9c: {  	s22 =	simm.s32 $0x0;
	s4 =	sshll.u32 s4, $0x1;
	s5 =	sadd.s32 s21, s3  }
0x9d: {  	[timem:s22], [sflag:s6] =	dma.local [hbm:s5], s4  }
0x9e: {  	_ =	swait.ge [sflag:s6], s4  }
0x9f: {  	s4 =	ssub.s32 $0x0, s4;
	[sflag:s6] =	ssyncset.done $0x0  }
0xa0: {  	[sflag:s6] =	ssyncadd.s32 s4;
	_ =	sdelay $0x1  }
0xa1: {  	s23 =	simm.s32 $0x1B8B  }
0xa2: {  	_ =	swait.ge [sflag:s23], $0x1  }
0xa3: {  	[sflag:s23] =	ssyncset.done $0x0  }
0xa4: {  	[sflag:s23] =	ssyncadd.s32 $0xFFFFFFFF  }
0xa5: {  	s4 =	sld [smem:$0x0]  }
0xa6: {  	s5 =	sand.u32 $0xFFFFFFFE, s1  }
0xa7: {  	p0 =	sne.s32 s1, s5  }
0xa8: {  	s5 =	sshll.u32 @p0 s5, $0xE  }
0xa9: {  	s5 =	sadd.s32 @p0 $0x11B8D, s5;
	s6 =	sshll.u32 @p0 s4, $0x11  }
0xaa: {  	s5 =	sor.u32 @p0 s6, s5  }
0xab: {  	[sflag:s5] =	ssyncadd.remote.s32 @p0 $0x1;
	_ =	sdelay $0x1  }
0xac: {  	s5 =	simm.s32 @p0 $0x1B8D  }
0xad: {  	_ =	swait.eq @p0 [sflag:s5], $0x1  }
0xae: {  	[sflag:s5] =	ssyncadd.s32 @p0 $0xFFFFFFFF  }
0xaf: {  	s6 =	sshll.u32 @!p0 s1, $0xE  }
0xb0: {  	s6 =	sor.u32 @!p0 $0x4000, s6;
	s5 =	simm.s32 @!p0 $0x1B8D  }
0xb1: {  	s4 =	sshll.u32 @!p0 s4, $0x11;
	s6 =	sadd.s32 @!p0 $0x11B8D, s6;
	_ =	swait.eq @!p0 [sflag:s5], $0x1  }
0xb2: {  	s4 =	sor.u32 @!p0 s4, s6;
	[sflag:s5] =	ssyncadd.s32 @!p0 $0xFFFFFFFF  }
0xb3: {  	s25 =	simm.s32 $0x1B8E;
	s24 =	sld [smem:$0x3FFE];
	[sflag:s4] =	ssyncadd.remote.s32 @!p0 $0x1  }
0xb4: {  	s26 =	simm.s32 $execute0_lowered;
	[smem:$0x3FD2] =	sst s25  }
0xb5: {  	s5 =	sshll.u32 s26, $0x1;
	_ =	strace $0x80000049;
	[dreg:$0x1] =	wrdreg $0xFFFFFFFF  }
0xb6: {  	s28 =	simm.s32 $_size_execute0_lowered;
	s3 =	sadd.s32 s3, s5;
	[dreg:$0x0] =	wrdreg $0x0  }
0xb7: {  	s5 =	sshll.u32 s28, $0x1;
	[dreg:$0x2] =	wrdreg s3  }
0xb8: {  	[dreg:$0x3] =	wrdreg s5  }
0xb9: {  	[dreg:$0x4] =	wrdreg $0xC0  }
0xba: {  	_ =	task [dreg:s22], $0x5FFFF  }
0xbb: {  	[dreg:$0x1] =	wrdreg $0xFFFFFFFF  }
0xbc: {  	[dreg:$0x0] =	wrdreg $0x60  }
0xbd: {  	[dreg:$0x2] =	wrdreg s24  }
0xbe: {  	[dreg:$0x3] =	wrdreg $0x85800  }
0xbf: {  	[dreg:$0x4] =	wrdreg $0xA  }
0xc0: {  	_ =	task.clear_ibuf [dreg:s22], $0x5FFFF;
	_ =	strace $0x90000049  }
0xc1: {  	s29 =	simm.s32 $0xA;
	_ =	strace $0x8000004B  }
0xc2: {  	_ =	swait.ge [sflag:s29], $0x1  }
0xc3: {  	[sflag:s29] =	ssyncadd.s32 $0xFFFFFFFF  }
0xc4: {  	_ =	strace $0x9000004B  }
0xc5: {  	_ =	sfence  }
0xc6: {  	s30 =	sld [smem:$0x0];
	_ =	sdelay $0x2  }
0xc7: {  	s31 =	sshll.u32 s1, $0xD;
	s1 =	sshrl.u32 s1, $0x2  }
0xc8: {  	s4 =	sand.u32 $0x4000, s31;
	s1 =	sadd.s32 s1, s30  }
0xc9: {  	s0 =	sor.u32 s4, s0;
	s1 =	sshll.u32 s1, $0x11  }
0xca: {  	s0 =	sor.u32 s1, s0  }
0xcb: {  	s0 =	sadd.s32 $0x8F2B, s0  }
0xcc: {  	[sflag:s0] =	ssyncadd.remote.s32 $0x1  }
0xcd: {  	_ =	sfence.sel $0xFFFF  }
0xce: {  	[dreg:$0x0] =	wrdreg $0xFFFFFFFF;
	(pc) =	sbr.abs _section_cstart, $3  }
0xcf: {  	[dreg:$0x1] =	wrdreg $0xFFFFFFFF  }
0xd0: {  	_ =	task.clear_ibuf [dreg:s22], $0x2FFFF;
	_ =	strace $0x9FFFFFFF  }
0xd1: {  	(tm) =	ssettm $0x7FFFFFFF  }
tec
execute0_lowered:
.L_overlay_start_1:
0x0: {  	(tag) =	ssettag $0x1  }
0x1: {  	s4 =	rddreg [dreg:$0x0]  }
0x2: {  	s1 =	rddreg [dreg:$0x1]  }
0x3: {  	s2 =	srdreg.scid;
	s0 =	rddreg [dreg:$0x2]  }
0x4: {  	s9 =	stileid.u32;
	s12 =	simm.s32 $0x4100;
	s13 =	simm.s32 $0x8100  }
0x5: {  	s14 =	simm.s32 $0x1;
	s15 =	simm.s32 $0x3;
	s16 =	simm.s32 $0x2  }
0x6: {  	s5 =	sand.u32 $0x1, s2;
	s2 =	simm.s32 $0x0;
	s3 =	sshll.u32 s9, $0x9  }
0x7: {  	p0 =	sne.s32 s9, $0x0;
	s9 =	simm.s32 $0x4;
	s6 =	sshll.u32 s5, $0x8  }
0x8: {  	[smem:$0x7FF] =	sst s2;
	s8 =	ssub.s32 $0x2, s5;
	s5 =	sshll.u32 s5, $0x4  }
0x9: {  	s17 =	sshrl.u32 @!p0 s1, $0x3;
	s6 =	sor.u32 s6, s3;
	_ =	strace $0x8000004A  }
0xa: {  	s10 =	sshrl.u32 s8, $0x1;
	s11 =	sadd.s32 s5, s4;
	s3 =	sshrl.u32 s6, $0x3  }
0xb: {  	s6 =	sshll.u32 s6, $0x4;
	s8 =	ssub.s32 s8, s10;
	s10 =	simm.s32 $0x80  }
0xc: {  	s7 =	sadd.s32 s3, s4;
	s3 =	sadd.s32 $0x2A00, s4;
	s6 =	sadd.s32 s6, s4  }
0xd: {  	s8 =	smax.u32 s8, $0x1;
	s4 =	sadd.s32 $0x7000, s7;
	s5 =	sadd.s32 $0xB200, s6  }
0xe: {  	v0 =	vimm.f32 $0.0e+00;
	v1 =	vimm.f32 $1.000000000e+00;
	s6 =	sadd.s32 $0xBA00, s6;
	s7 =	sadd.s32 $0x7400, s11;
	s11 =	simm.s32 $0x100  }
.LBB2_1:
0xf: {  	[tilespmem:s2], [sflag:$0x4] =	stream.linear.gather [hbm4b:s4+s2], $0x100, $0x38;
	[tilespmem:$0x85C0] =	vst v63  }
0x10: {  	_ =	swait.ge [sflag:s9], $0x100  }
0x11: {  	[sflag:s9] =	ssyncset.done $0x0  }
0x12: {  	[sflag:s9] =	ssyncadd.s32 $0xFFFFFF00  }
0x13: {  	[tilespmem:s11], [sflag:$0x1] =	stream.indirect.gather [hbm4b:s3+s10], $0x80, s2, s10, $0xb8;
	[tilespmem:$0x85C0] =	vst v63  }
0x14: {  	_ = 	snop  }
0x15: {  	[tilespmem:s12], [sflag:$0x1] =	stream.indirect.gather [hbm4b:s3+s10], $0x80, s10, s10, $0xb8;
	[tilespmem:$0x85C0] =	vst v63  }
0x16: {  	[tilespmem:$0x8180] =	vst v0  }
0x17: {  	[tilespmem:$0x8190] =	vst v0  }
0x18: {  	[tilespmem:$0x81A0] =	vst v0  }
0x19: {  	[tilespmem:$0x81B0] =	vst v0  }
0x1a: {  	[tilespmem:$0x81C0] =	vst v0  }
0x1b: {  	[tilespmem:$0x81D0] =	vst v0  }
0x1c: {  	[tilespmem:$0x81E0] =	vst v0  }
0x1d: {  	[tilespmem:$0x81F0] =	vst v0  }
0x1e: {  	[tilespmem:$0x8200] =	vst v0  }
0x1f: {  	[tilespmem:$0x8210] =	vst v0  }
0x20: {  	[tilespmem:$0x8220] =	vst v0  }
0x21: {  	[tilespmem:$0x8230] =	vst v0  }
0x22: {  	[tilespmem:$0x8240] =	vst v0  }
0x23: {  	[tilespmem:$0x8250] =	vst v0  }
0x24: {  	[tilespmem:$0x8260] =	vst v0  }
0x25: {  	[tilespmem:$0x8270] =	vst v0  }
0x26: {  	[tilespmem:$0x8280] =	vst v0  }
0x27: {  	[tilespmem:$0x8290] =	vst v0  }
0x28: {  	[tilespmem:$0x82A0] =	vst v0  }
0x29: {  	[tilespmem:$0x82B0] =	vst v0  }
0x2a: {  	[tilespmem:$0x82C0] =	vst v0  }
0x2b: {  	[tilespmem:$0x82D0] =	vst v0  }
0x2c: {  	[tilespmem:$0x82E0] =	vst v0  }
0x2d: {  	[tilespmem:$0x82F0] =	vst v0  }
0x2e: {  	[tilespmem:$0x8300] =	vst v0  }
0x2f: {  	[tilespmem:$0x8310] =	vst v0  }
0x30: {  	[tilespmem:$0x8320] =	vst v0  }
0x31: {  	[tilespmem:$0x8330] =	vst v0  }
0x32: {  	[tilespmem:$0x8340] =	vst v0  }
0x33: {  	[tilespmem:$0x8350] =	vst v0  }
0x34: {  	[tilespmem:$0x8360] =	vst v0  }
0x35: {  	[tilespmem:$0x8370] =	vst v0  }
0x36: {  	[tilespmem:$0x8380] =	vst v0  }
0x37: {  	[tilespmem:$0x8390] =	vst v0  }
0x38: {  	[tilespmem:$0x83A0] =	vst v0  }
0x39: {  	[tilespmem:$0x83B0] =	vst v0  }
0x3a: {  	[tilespmem:$0x83C0] =	vst v0  }
0x3b: {  	[tilespmem:$0x83D0] =	vst v0  }
0x3c: {  	[tilespmem:$0x83E0] =	vst v0  }
0x3d: {  	[tilespmem:$0x83F0] =	vst v0  }
0x3e: {  	[tilespmem:$0x8400] =	vst v0  }
0x3f: {  	[tilespmem:$0x8410] =	vst v0  }
0x40: {  	[tilespmem:$0x8420] =	vst v0  }
0x41: {  	[tilespmem:$0x8430] =	vst v0  }
0x42: {  	[tilespmem:$0x8440] =	vst v0  }
0x43: {  	[tilespmem:$0x8450] =	vst v0  }
0x44: {  	[tilespmem:$0x8460] =	vst v0  }
0x45: {  	[tilespmem:$0x8470] =	vst v0  }
0x46: {  	[tilespmem:$0x8480] =	vst v0  }
0x47: {  	[tilespmem:$0x8490] =	vst v0  }
0x48: {  	[tilespmem:$0x84A0] =	vst v0  }
0x49: {  	[tilespmem:$0x84B0] =	vst v0  }
0x4a: {  	[tilespmem:$0x84C0] =	vst v0  }
0x4b: {  	[tilespmem:$0x84D0] =	vst v0  }
0x4c: {  	[tilespmem:$0x84E0] =	vst v0  }
0x4d: {  	[tilespmem:$0x84F0] =	vst v0  }
0x4e: {  	[tilespmem:$0x8500] =	vst v0  }
0x4f: {  	[tilespmem:$0x8510] =	vst v0  }
0x50: {  	[tilespmem:$0x8520] =	vst v0  }
0x51: {  	[tilespmem:$0x8530] =	vst v0  }
0x52: {  	[tilespmem:$0x8540] =	vst v0  }
0x53: {  	[tilespmem:$0x8550] =	vst v0  }
0x54: {  	[tilespmem:$0x8560] =	vst v0  }
0x55: {  	[tilespmem:$0x8570] =	vst v0  }
0x56: {  	[tilespmem:$0x8100] =	vst v1  }
0x57: {  	[tilespmem:$0x8110] =	vst v1  }
0x58: {  	[tilespmem:$0x8120] =	vst v1  }
0x59: {  	[tilespmem:$0x8130] =	vst v1  }
0x5a: {  	[tilespmem:$0x8140] =	vst v1  }
0x5b: {  	[tilespmem:$0x8150] =	vst v1  }
0x5c: {  	[tilespmem:$0x8160] =	vst v1  }
0x5d: {  	s18 =	simm.s32 @!p0 $0x8180;
	[tilespmem:$0x8170] =	vst v1  }
0x5e: {  	[spmem:s1] =	stream.linear.scatter @!p0 [tilespmem:s18], [sflag:$0x4], $0x400, $0x38;
	[tilespmem:$0x85C0] =	vst v63  }
0x5f: {  	s18 =	simm.s32 @!p0 $0x4  }
0x60: {  	_ =	swait.ge @!p0 [sflag:s18], $0x400  }
0x61: {  	[sflag:s18] =	ssyncset.done @!p0 $0x0  }
0x62: {  	[sflag:s18] =	ssyncadd.s32 @!p0 $0xFFFFFC00  }
0x63: {  	[bflag:$0x0] =	sbarrier.arrive $0xFFFF  }
0x64: {  	[spmem:s1] =	stream.indirect.scatter.add.f32 [tilespmem:s13], [sflag:$0x3], $0x1, s2, s10, $0xb8;
	[tilespmem:$0x85C0] =	vst v63  }
0x65: {  	_ = 	snop  }
0x66: {  	[spmem:s1] =	stream.indirect.scatter.add.f32 [tilespmem:s13], [sflag:$0x3], $0x1, s10, s10, $0xb8;
	[tilespmem:$0x85C0] =	vst v63  }
0x67: {  	_ =	swait.ge [sflag:s14], $0x4000  }
0x68: {  	[sflag:s14] =	ssyncset.done $0x0  }
0x69: {  	[sflag:s14] =	ssyncadd.s32 $0xFFFFC000  }
0x6a: {  	[hbm4b:s5+s2] =	stream.linear.scatter [tilespmem:s11], [sflag:$0x2], $0x4000, $0x38;
	[tilespmem:$0x85C0] =	vst v63  }
0x6b: {  	_ =	swait.ge [sflag:s14], $0x4000  }
0x6c: {  	[sflag:s14] =	ssyncset.done $0x0  }
0x6d: {  	[sflag:s14] =	ssyncadd.s32 $0xFFFFC000  }
0x6e: {  	[hbm4b:s6+s2] =	stream.linear.scatter [tilespmem:s12], [sflag:$0x2], $0x4000, $0x38;
	[tilespmem:$0x85C0] =	vst v63  }
0x6f: {  	_ =	swait.ge [sflag:s15], $0x80  }
0x70: {  	[sflag:s15] =	ssyncset.done $0x0  }
0x71: {  	[sflag:s15] =	ssyncadd.s32 $0xFFFFFF80  }
0x72: {  	_ =	swait.ge [sflag:s15], $0x80  }
0x73: {  	[sflag:s15] =	ssyncset.done $0x0  }
0x74: {  	[sflag:s15] =	ssyncadd.s32 $0xFFFFFF80  }
0x75: {  	_ =	swait.ge [sflag:s16], $0x4000  }
0x76: {  	[sflag:s16] =	ssyncset.done $0x0  }
0x77: {  	[sflag:s16] =	ssyncadd.s32 $0xFFFFC000  }
0x78: {  	s19 =	simm.s32 @!p0 $0x1;
	_ =	swait.ge [sflag:s16], $0x4000  }
0x79: {  	s20 =	simm.s32 @!p0 $0x20;
	s8 =	sadd.s32 $0xFFFFFFFF, s8;
	[sflag:s16] =	ssyncset.done $0x0  }
0x7a: {  	s21 =	simm.s32 @!p0 $0x10;
	p1 =	sne.s32 s8, $0x0;
	[sflag:s16] =	ssyncadd.s32 $0xFFFFC000  }
.Ltmp0:
0x7b: {  	s22 =	simm.s32 @!p0 $0x1C04;
	[bflag:$0x0] =	sbarrier.arrive $0xFFFF;
	(pc) =	sbr.rel @p1 .LBB2_1-.Ltmp0, $4  }
0x7c: {  	[hbm:s7@s20], [sflag:s22] =	dma.strided @!p0 [spmem:s17@s21], $0x80, s19, $0x10   }
0x7d: {  	_ =	swait.ge @!p0 [sflag:s18], $0x80  }
0x7e: {  	[sflag:s18] =	ssyncset.done @!p0 $0x0  }
0x7f: {  	[sflag:s18] =	ssyncadd.s32 @!p0 $0xFFFFFF80  }
0x80: {  	_ =	sfence.sel $0x180000  }
0x81: {  	[bflag:$0x0] =	sbarrier.arrive $0xFFFF  }
0x82: {  	_ =	strace $0x9000004A  }
0x83: {  	s0 =	sadd.s32 @!p0 $0x100000, s0;
	[bflag:$0x2] =	sbarrier.arrive $0xFFFF  }
0x84: {  	[sflag:s0] =	ssyncadd.tile.s32 @!p0 $0x1;
	_ =	shalt  }
.Lfunc_end2:
_tile_overlayer_lowered:
.L_overlay_start_2:
0x85: {  	(tag) =	ssettag $0x2  }
0x86: {  	s0 =	rddreg [dreg:$0x0];
	s2 =	stileid.u32  }
0x87: {  	s1 =	rddreg [dreg:$0x1];
	p0 =	sne.s32 s2, $0x0  }
0x88: {  	s3 =	rddreg [dreg:$0x2];
	[bflag:$0x3] =	sbarrier.arrive $0xFFFF;
	s2 =	simm.s32 @!p0 $0x1C04  }
0x89: {  	[timem:s3], [sflag:s2] =	dma.local @!p0 [hbm:s0], s1  }
0x8a: {  	s0 =	simm.s32 @!p0 $0x4  }
0x8b: {  	_ =	swait.ge @!p0 [sflag:s0], s1  }
0x8c: {  	s1 =	ssub.s32 @!p0 $0x0, s1;
	[sflag:s0] =	ssyncset.done @!p0 $0x0  }
0x8d: {  	[sflag:s0] =	ssyncadd.s32 @!p0 s1  }
0x8e: {  	[bflag:$0x3] =	sbarrier.arrive $0xFFFF  }
0x8f: {  	_ =	shalt  }

// kernel: kernel.8.cloned.1.call-start
scs
__scs_entry_jumppad:
0x0: {  	(pc) =	sbr.rel $0x88, $3  }
0x1: {  	(tag) =	ssettag $0x0;
	lr =	simm.s32 $0x1  }
0x2: {  	[smem:$0x3F9F] =	sst lr;
	_ =	strace $0xD0000000  }
0x3: {  	_ = 	snop  }
0x4: {  	_ = 	snop  }
0x5: {  	_ = 	snop  }
0x6: {  	_ = 	snop  }
0x7: {  	_ = 	snop  }
__scs_overlays_trampoline_lowered:
0x8: {  	[smem:$0x3FAE] =	sst s0  }
0x9: {  	[smem:$0x3FAF] =	sst s1  }
0xa: {  	[smem:$0x3FB0] =	sst s2  }
0xb: {  	[smem:$0x3FB1] =	sst s3  }
0xc: {  	[smem:$0x3FB2] =	sst s4  }
0xd: {  	[smem:$0x3FB3] =	sst s5  }
0xe: {  	[smem:$0x3FB4] =	sst s6  }
0xf: {  	[smem:$0x3FB5] =	sst s7  }
0x10: {  	[smem:$0x3FB6] =	sst s8  }
0x11: {  	[smem:$0x3FB7] =	sst s9;
	s0 =	simm.s32 @!p0 $0x0  }
0x12: {  	s1 =	sld [smem:$0x3F9D];
	s0 =	simm.s32 @p0 $0x1  }
0x13: {  	[smem:$0x3FB8] =	sst s0;
	s0 =	simm.s32 @!p1 $0x0  }
0x14: {  	s2 =	sld [smem:$0x3F9C];
	s0 =	simm.s32 @p1 $0x1  }
0x15: {  	[smem:$0x3FB9] =	sst s0;
	s0 =	simm.s32 @!p2 $0x0  }
0x16: {  	s3 =	sld [smem:$0x3FDB];
	s0 =	simm.s32 @p2 $0x1  }
0x17: {  	s4 =	simm.s32 $0x1BF5;
	[smem:$0x3FBB] =	sst s0  }
0x18: {  	s0 =	sld [smem:$0x3F9E];
	_ =	swait.ge [sflag:s4], $0x0  }
0x19: {  	s7 =	sld [smem:$0x3F9F]  }
0x1a: {  	s8 =	sadd.s32 $0xFFFFE003, lr  }
0x1b: {  	s9 =	sadd.s32 $0xFFFFFEF7, lr;
	s5 =	simm.s32 $0xFFFFFFFF;
	p2 =	slt.u32 s8, $0xFFFFF086  }
0x1c: {  	p1 =	slt.u32 s9, $0xF7A;
	s5 =	simm.s32 @!p2 $0x0  }
0x1d: {  	s5 =	simm.s32 @p1 $0x1;
	p0 =	seq.s32 s7, s2  }
0x1e: {  	s7 =	smul.u32 @!p0 $0xF7A, s2;
	p2 =	seq.s32 @!p0 s5, $0x0  }
0x1f: {  	s9 =	smul.u32 $0xF7A, s1;
	s8 =	simm.s32 @!p0 $0x1BF5;
	p2 =	por !p2, p0  }
0x20: {  	[sflag:s8] =	ssyncset.s32 @!p0 $0xFFFFF086;
	s6 =	sadd.s32 @!p0 s3, s7;
	s7 =	simm.s32 @!p0 $0x108  }
0x21: {  	s3 =	sadd.s32 s3, s9;
	s6 =	sadd.s32 @!p0 $0x88, s6;
	s7 =	simm.s32 @p2 $0x1082  }
0x22: {  	[simem:s7], [sflag:s8] =	dma.local @!p0 [hbm:s6], $0xF7A  }
0x23: {  	s9 =	sor.u32 $0xD0000000, s2;
	s6 =	simm.s32 $0x108;
	_ =	swait.ge @!p0 [sflag:s8], $0x0  }
0x24: {  	s3 =	sadd.s32 $0x88, s3;
	s6 =	simm.s32 @!p1 $0x1082;
	[sflag:s4] =	ssyncset.s32 $0xFFFFF086  }
0x25: {  	[simem:s6], [sflag:s4] =	dma.local [hbm:s3], $0xF7A  }
0x26: {  	[smem:$0x3F9F] =	sst s1;
	(tag) =	ssettag s2;
	_ =	strace s9  }
0x27: {  	s1 =	sld [smem:$0x3FAF]  }
0x28: {  	s2 =	sld [smem:$0x3FB0]  }
0x29: {  	s4 =	sld [smem:$0x3FB2]  }
0x2a: {  	p0 =	seq.s32 s5, $0x0;
	s5 =	sld [smem:$0x3FB3]  }
0x2b: {  	s6 =	sld [smem:$0x3FB4]  }
0x2c: {  	s7 =	sld [smem:$0x3FB5]  }
0x2d: {  	s3 =	simm.s32 $0x108;
	s8 =	sld [smem:$0x3FB6]  }
0x2e: {  	s3 =	simm.s32 @!p0 $0x1082;
	s9 =	sld [smem:$0x3FB7]  }
0x2f: {  	lr =	sadd.s32 s0, s3;
	s0 =	sld [smem:$0x3FAE]  }
0x30: {  	s3 =	sld [smem:$0x3FB1]  }
0x31: {  	[smem:$0x3FBA] =	sst s10  }
0x32: {  	s10 =	sld [smem:$0x3FB8];
	_ =	sdelay $0x3  }
0x33: {  	p0 =	seq.s32 s10, $0x1;
	s10 =	sld [smem:$0x3FBA];
	_ =	sdelay $0x3  }
0x34: {  	[smem:$0x3FBA] =	sst s10  }
0x35: {  	s10 =	sld [smem:$0x3FB9];
	_ =	sdelay $0x3  }
0x36: {  	p1 =	seq.s32 s10, $0x1;
	s10 =	sld [smem:$0x3FBA];
	_ =	sdelay $0x3  }
0x37: {  	[smem:$0x3FBA] =	sst s10  }
0x38: {  	s10 =	sld [smem:$0x3FBB]  }
0x39: {  	_ = 	snop;
	(pc) =	sbr.ind lr, $3  }
0x3a: {  	_ = 	snop  }
0x3b: {  	_ = 	snop  }
0x3c: {  	p2 =	seq.s32 s10, $0x1;
	s10 =	sld [smem:$0x3FBA]  }
0x3d: {  	_ =	shalt  }
0x3e: {  	_ =	shalt  }
0x3f: {  	_ =	shalt  }
0x40: {  	_ =	shalt  }
0x41: {  	_ =	shalt  }
0x42: {  	_ =	shalt  }
0x43: {  	_ =	shalt  }
0x44: {  	_ =	shalt  }
0x45: {  	_ =	shalt  }
0x46: {  	_ =	shalt  }
0x47: {  	_ =	shalt  }
0x48: {  	_ =	shalt  }
0x49: {  	_ =	shalt  }
0x4a: {  	_ =	shalt  }
0x4b: {  	_ =	shalt  }
0x4c: {  	_ =	shalt  }
0x4d: {  	_ =	shalt  }
0x4e: {  	_ =	shalt  }
0x4f: {  	_ =	shalt  }
0x50: {  	_ =	shalt  }
0x51: {  	_ =	shalt  }
0x52: {  	_ =	shalt  }
0x53: {  	_ =	shalt  }
0x54: {  	_ =	shalt  }
0x55: {  	_ =	shalt  }
0x56: {  	_ =	shalt  }
0x57: {  	_ =	shalt  }
0x58: {  	_ =	shalt  }
0x59: {  	_ =	shalt  }
0x5a: {  	_ =	shalt  }
0x5b: {  	_ =	shalt  }
0x5c: {  	_ =	shalt  }
0x5d: {  	_ =	shalt  }
0x5e: {  	_ =	shalt  }
0x5f: {  	_ =	shalt  }
0x60: {  	_ =	shalt  }
0x61: {  	_ =	shalt  }
0x62: {  	_ =	shalt  }
0x63: {  	_ =	shalt  }
0x64: {  	_ =	shalt  }
0x65: {  	_ =	shalt  }
0x66: {  	_ =	shalt  }
0x67: {  	_ =	shalt  }
0x68: {  	_ =	shalt  }
0x69: {  	_ =	shalt  }
0x6a: {  	_ =	shalt  }
0x6b: {  	_ =	shalt  }
0x6c: {  	_ =	shalt  }
0x6d: {  	_ =	shalt  }
0x6e: {  	_ =	shalt  }
0x6f: {  	_ =	shalt  }
0x70: {  	_ =	shalt  }
0x71: {  	_ =	shalt  }
0x72: {  	_ =	shalt  }
0x73: {  	_ =	shalt  }
0x74: {  	_ =	shalt  }
0x75: {  	_ =	shalt  }
0x76: {  	_ =	shalt  }
0x77: {  	_ =	shalt  }
0x78: {  	_ =	shalt  }
0x79: {  	_ =	shalt  }
0x7a: {  	_ =	shalt  }
0x7b: {  	_ =	shalt  }
0x7c: {  	_ =	shalt  }
0x7d: {  	_ =	shalt  }
0x7e: {  	_ =	shalt  }
0x7f: {  	_ =	shalt  }
0x80: {  	_ =	shalt  }
0x81: {  	_ =	shalt  }
0x82: {  	_ =	shalt  }
0x83: {  	_ =	shalt  }
0x84: {  	_ =	shalt  }
0x85: {  	_ =	shalt  }
0x86: {  	_ =	shalt  }
0x87: {  	_ =	shalt  }
.Lfunc_end0:
.L_simem_size_0:
called_computation_lowered:
.L_overlay_start_0:
0x88: {  	s2 =	sld [smem:$0x3FD9]  }
0x89: {  	s3 =	sld [smem:$0x3FFE];
	_ =	sdelay $0x1  }
0x8a: {  	s1 =	srdreg.scid  }
0x8b: {  	s0 =	sand.u32 $0x1, s1  }
0x8c: {  	s14 =	sshll.u32 s0, $0xA;
	s2 =	sadd.s32 s3, s2  }
0x8d: {  	s2 =	sadd.s32 s2, s14  }
0x8e: {  	[smem:$0x3FC6] =	sst s2  }
0x8f: {  	_ = 	snop  }
0x90: {  	s2 =	sld [smem:$0x3FD0];
	_ =	sdelay $0x2  }
0x91: {  	s15 =	simm.s32 $0xB;
	s4 =	simm.s32 $0x10  }
0x92: {  	[smem:s4], [sflag:s15] =	dma.local [hbm:s2], $0x1  }
0x93: {  	_ =	swait.eq [sflag:s15], $0x1  }
0x94: {  	[sflag:s15] =	ssyncset.done $0x0  }
0x95: {  	[sflag:s15] =	ssyncadd.s32 $0xFFFFFFFF  }
0x96: {  	s16 =	sld [smem:$0x10];
	(tm) =	ssettm $0x1  }
0x97: {  	s17 =	sld [smem:$0x3FFB];
	_ =	sdelay $0x3  }
0x98: {  	_ =	strace s17  }
0x99: {  	s3 =	sld [smem:$0x3FFC];
	_ =	sdelay $0x3  }
0x9a: {  	_ =	strace s3  }
0x9b: {  	s3 =	sld [smem:$0x3FFD];
	_ =	sdelay $0x3  }
0x9c: {  	_ =	strace s3  }
0x9d: {  	_ =	strace $0x8FFFFFFF  }
0x9e: {  	s18 =	sld [smem:$0x3FDB];
	_ =	sdelay $0x1  }
0x9f: {  	s19 =	simm.s32 $_scs_section_size  }
0xa0: {  	s5 =	simm.s32 $_size__tile_overlayer_lowered;
	s6 =	simm.s32 $_tile_overlayer_lowered  }
0xa1: {  	s22 =	simm.s32 $0x1BFF;
	s21 =	sshll.u32 s6, $0x1;
	s3 =	sadd.s32 s19, s18  }
0xa2: {  	s7 =	simm.s32 $0x0;
	s20 =	sshll.u32 s5, $0x1;
	s5 =	sadd.s32 s21, s3  }
0xa3: {  	[timem:s7], [sflag:s22] =	dma.local [hbm:s5], s20  }
0xa4: {  	_ =	swait.ge [sflag:s22], s20  }
0xa5: {  	s4 =	ssub.s32 $0x0, s20;
	[sflag:s22] =	ssyncset.done $0x0  }
0xa6: {  	[sflag:s22] =	ssyncadd.s32 s4;
	_ =	sdelay $0x1  }
0xa7: {  	s23 =	simm.s32 $0x1B8B  }
0xa8: {  	_ =	swait.ge [sflag:s23], $0x1  }
0xa9: {  	[sflag:s23] =	ssyncset.done $0x0  }
0xaa: {  	s25 =	simm.s32 $0x1B8E;
	s24 =	sld [smem:$0x3FFE];
	[sflag:s23] =	ssyncadd.s32 $0xFFFFFFFF  }
0xab: {  	s26 =	simm.s32 $execute0_lowered;
	[smem:$0x3FD2] =	sst s25  }
0xac: {  	s5 =	sshll.u32 s26, $0x1;
	_ =	strace $0x80000046;
	[dreg:$0x1] =	wrdreg $0xFFFFFFFF  }
0xad: {  	s28 =	simm.s32 $_size_execute0_lowered;
	s3 =	sadd.s32 s3, s5;
	[dreg:$0x0] =	wrdreg $0x0  }
0xae: {  	s5 =	sshll.u32 s28, $0x1;
	[dreg:$0x2] =	wrdreg s3  }
0xaf: {  	[dreg:$0x3] =	wrdreg s5  }
0xb0: {  	[dreg:$0x4] =	wrdreg $0xC0  }
0xb1: {  	_ =	task [dreg:s7], $0x5FFFF  }
0xb2: {  	[dreg:$0x1] =	wrdreg $0xFFFFFFFF  }
0xb3: {  	[dreg:$0x0] =	wrdreg $0x60  }
0xb4: {  	[dreg:$0x2] =	wrdreg s24  }
0xb5: {  	[dreg:$0x3] =	wrdreg s16  }
0xb6: {  	[dreg:$0x4] =	wrdreg $0x85800  }
0xb7: {  	[dreg:$0x5] =	wrdreg $0x9  }
0xb8: {  	_ =	task.clear_ibuf [dreg:s7], $0x6FFFF;
	_ =	strace $0x90000046  }
0xb9: {  	s29 =	simm.s32 $0x9;
	_ =	strace $0x80000048  }
0xba: {  	_ =	swait.ge [sflag:s29], $0x1  }
0xbb: {  	[sflag:s29] =	ssyncadd.s32 $0xFFFFFFFF  }
0xbc: {  	_ =	strace $0x90000048  }
0xbd: {  	_ =	sfence  }
0xbe: {  	s30 =	sld [smem:$0x0];
	_ =	sdelay $0x2  }
0xbf: {  	s31 =	sshll.u32 s1, $0xD;
	s1 =	sshrl.u32 s1, $0x2  }
0xc0: {  	s3 =	sand.u32 $0x4000, s31;
	s1 =	sadd.s32 s1, s30  }
0xc1: {  	s0 =	sor.u32 s3, s0;
	s1 =	sshll.u32 s1, $0x11  }
0xc2: {  	s0 =	sor.u32 s1, s0  }
0xc3: {  	s0 =	sadd.s32 $0x8F2B, s0  }
0xc4: {  	[sflag:s0] =	ssyncadd.remote.s32 $0x1  }
0xc5: {  	_ =	sfence.sel $0xFFFF  }
0xc6: {  	[dreg:$0x0] =	wrdreg $0xFFFFFFFF;
	(pc) =	sbr.abs _section_cstart, $3  }
0xc7: {  	[dreg:$0x1] =	wrdreg $0xFFFFFFFF  }
0xc8: {  	_ =	task.clear_ibuf [dreg:s7], $0x2FFFF;
	_ =	strace $0x9FFFFFFF  }
0xc9: {  	(tm) =	ssettm $0x7FFFFFFF  }
tec
execute0_lowered:
.L_overlay_start_1:
0x0: {  	(tag) =	ssettag $0x1  }
0x1: {  	s4 =	rddreg [dreg:$0x0];
	s0 =	srdreg.scid  }
0x2: {  	s5 =	rddreg [dreg:$0x1];
	s9 =	stileid.u32  }
0x3: {  	s1 =	rddreg [dreg:$0x2];
	s2 =	simm.s32 $0x0;
	s12 =	simm.s32 $0x4100  }
0x4: {  	s13 =	simm.s32 $0x8100;
	s14 =	simm.s32 $0x1;
	s15 =	simm.s32 $0x3  }
0x5: {  	s16 =	simm.s32 $0x2;
	s6 =	sand.u32 $0x1, s0;
	s0 =	rddreg [dreg:$0x3]  }
0x6: {  	s3 =	sshll.u32 s9, $0x9;
	[smem:$0x7FF] =	sst s2;
	p0 =	sne.s32 s9, $0x0  }
0x7: {  	s9 =	simm.s32 $0x4;
	s7 =	sshll.u32 s6, $0x8;
	_ =	strace $0x80000047  }
0x8: {  	s10 =	sshll.u32 s6, $0x4;
	s6 =	ssub.s32 $0x2, s6;
	s17 =	sshrl.u32 @!p0 s1, $0x3  }
0x9: {  	s7 =	sor.u32 s7, s3;
	s10 =	sadd.s32 s10, s4;
	s11 =	sshrl.u32 s6, $0x1  }
0xa: {  	s3 =	sshrl.u32 s7, $0x3;
	s7 =	sshll.u32 s7, $0x4;
	s11 =	ssub.s32 s6, s11  }
0xb: {  	s8 =	sadd.s32 s3, s4;
	s3 =	sadd.s32 $0x2A00, s4;
	s4 =	sadd.s32 s5, s7  }
0xc: {  	s7 =	sadd.s32 $0x6E00, s10;
	s10 =	simm.s32 $0x80;
	s5 =	sadd.s32 $0x6A00, s8  }
0xd: {  	v0 =	vimm.f32 $0.0e+00;
	v1 =	vimm.f32 $1.000000000e+00;
	s6 =	sadd.s32 $0x800, s4;
	s8 =	smax.u32 s11, $0x1;
	s11 =	simm.s32 $0x100  }
.LBB2_1:
0xe: {  	[tilespmem:s2], [sflag:$0x4] =	stream.linear.gather [hbm4b:s5+s2], $0x100, $0x38;
	[tilespmem:$0x85C0] =	vst v63  }
0xf: {  	_ =	swait.ge [sflag:s9], $0x100  }
0x10: {  	[sflag:s9] =	ssyncset.done $0x0  }
0x11: {  	[sflag:s9] =	ssyncadd.s32 $0xFFFFFF00  }
0x12: {  	[tilespmem:s11], [sflag:$0x1] =	stream.indirect.gather [hbm4b:s3+s10], $0x80, s2, s10, $0xb8;
	[tilespmem:$0x85C0] =	vst v63  }
0x13: {  	_ = 	snop  }
0x14: {  	[tilespmem:s12], [sflag:$0x1] =	stream.indirect.gather [hbm4b:s3+s10], $0x80, s10, s10, $0xb8;
	[tilespmem:$0x85C0] =	vst v63  }
0x15: {  	[tilespmem:$0x8180] =	vst v0  }
0x16: {  	[tilespmem:$0x8190] =	vst v0  }
0x17: {  	[tilespmem:$0x81A0] =	vst v0  }
0x18: {  	[tilespmem:$0x81B0] =	vst v0  }
0x19: {  	[tilespmem:$0x81C0] =	vst v0  }
0x1a: {  	[tilespmem:$0x81D0] =	vst v0  }
0x1b: {  	[tilespmem:$0x81E0] =	vst v0  }
0x1c: {  	[tilespmem:$0x81F0] =	vst v0  }
0x1d: {  	[tilespmem:$0x8200] =	vst v0  }
0x1e: {  	[tilespmem:$0x8210] =	vst v0  }
0x1f: {  	[tilespmem:$0x8220] =	vst v0  }
0x20: {  	[tilespmem:$0x8230] =	vst v0  }
0x21: {  	[tilespmem:$0x8240] =	vst v0  }
0x22: {  	[tilespmem:$0x8250] =	vst v0  }
0x23: {  	[tilespmem:$0x8260] =	vst v0  }
0x24: {  	[tilespmem:$0x8270] =	vst v0  }
0x25: {  	[tilespmem:$0x8280] =	vst v0  }
0x26: {  	[tilespmem:$0x8290] =	vst v0  }
0x27: {  	[tilespmem:$0x82A0] =	vst v0  }
0x28: {  	[tilespmem:$0x82B0] =	vst v0  }
0x29: {  	[tilespmem:$0x82C0] =	vst v0  }
0x2a: {  	[tilespmem:$0x82D0] =	vst v0  }
0x2b: {  	[tilespmem:$0x82E0] =	vst v0  }
0x2c: {  	[tilespmem:$0x82F0] =	vst v0  }
0x2d: {  	[tilespmem:$0x8300] =	vst v0  }
0x2e: {  	[tilespmem:$0x8310] =	vst v0  }
0x2f: {  	[tilespmem:$0x8320] =	vst v0  }
0x30: {  	[tilespmem:$0x8330] =	vst v0  }
0x31: {  	[tilespmem:$0x8340] =	vst v0  }
0x32: {  	[tilespmem:$0x8350] =	vst v0  }
0x33: {  	[tilespmem:$0x8360] =	vst v0  }
0x34: {  	[tilespmem:$0x8370] =	vst v0  }
0x35: {  	[tilespmem:$0x8380] =	vst v0  }
0x36: {  	[tilespmem:$0x8390] =	vst v0  }
0x37: {  	[tilespmem:$0x83A0] =	vst v0  }
0x38: {  	[tilespmem:$0x83B0] =	vst v0  }
0x39: {  	[tilespmem:$0x83C0] =	vst v0  }
0x3a: {  	[tilespmem:$0x83D0] =	vst v0  }
0x3b: {  	[tilespmem:$0x83E0] =	vst v0  }
0x3c: {  	[tilespmem:$0x83F0] =	vst v0  }
0x3d: {  	[tilespmem:$0x8400] =	vst v0  }
0x3e: {  	[tilespmem:$0x8410] =	vst v0  }
0x3f: {  	[tilespmem:$0x8420] =	vst v0  }
0x40: {  	[tilespmem:$0x8430] =	vst v0  }
0x41: {  	[tilespmem:$0x8440] =	vst v0  }
0x42: {  	[tilespmem:$0x8450] =	vst v0  }
0x43: {  	[tilespmem:$0x8460] =	vst v0  }
0x44: {  	[tilespmem:$0x8470] =	vst v0  }
0x45: {  	[tilespmem:$0x8480] =	vst v0  }
0x46: {  	[tilespmem:$0x8490] =	vst v0  }
0x47: {  	[tilespmem:$0x84A0] =	vst v0  }
0x48: {  	[tilespmem:$0x84B0] =	vst v0  }
0x49: {  	[tilespmem:$0x84C0] =	vst v0  }
0x4a: {  	[tilespmem:$0x84D0] =	vst v0  }
0x4b: {  	[tilespmem:$0x84E0] =	vst v0  }
0x4c: {  	[tilespmem:$0x84F0] =	vst v0  }
0x4d: {  	[tilespmem:$0x8500] =	vst v0  }
0x4e: {  	[tilespmem:$0x8510] =	vst v0  }
0x4f: {  	[tilespmem:$0x8520] =	vst v0  }
0x50: {  	[tilespmem:$0x8530] =	vst v0  }
0x51: {  	[tilespmem:$0x8540] =	vst v0  }
0x52: {  	[tilespmem:$0x8550] =	vst v0  }
0x53: {  	[tilespmem:$0x8560] =	vst v0  }
0x54: {  	[tilespmem:$0x8570] =	vst v0  }
0x55: {  	[tilespmem:$0x8100] =	vst v1  }
0x56: {  	[tilespmem:$0x8110] =	vst v1  }
0x57: {  	[tilespmem:$0x8120] =	vst v1  }
0x58: {  	[tilespmem:$0x8130] =	vst v1  }
0x59: {  	[tilespmem:$0x8140] =	vst v1  }
0x5a: {  	[tilespmem:$0x8150] =	vst v1  }
0x5b: {  	[tilespmem:$0x8160] =	vst v1  }
0x5c: {  	s18 =	simm.s32 @!p0 $0x8180;
	[tilespmem:$0x8170] =	vst v1  }
0x5d: {  	[spmem:s1] =	stream.linear.scatter @!p0 [tilespmem:s18], [sflag:$0x4], $0x400, $0x38;
	[tilespmem:$0x85C0] =	vst v63  }
0x5e: {  	s18 =	simm.s32 @!p0 $0x4  }
0x5f: {  	_ =	swait.ge @!p0 [sflag:s18], $0x400  }
0x60: {  	[sflag:s18] =	ssyncset.done @!p0 $0x0  }
0x61: {  	[sflag:s18] =	ssyncadd.s32 @!p0 $0xFFFFFC00  }
0x62: {  	[bflag:$0x0] =	sbarrier.arrive $0xFFFF  }
0x63: {  	[spmem:s1] =	stream.indirect.scatter.add.f32 [tilespmem:s13], [sflag:$0x3], $0x1, s2, s10, $0xb8;
	[tilespmem:$0x85C0] =	vst v63  }
0x64: {  	_ = 	snop  }
0x65: {  	[spmem:s1] =	stream.indirect.scatter.add.f32 [tilespmem:s13], [sflag:$0x3], $0x1, s10, s10, $0xb8;
	[tilespmem:$0x85C0] =	vst v63  }
0x66: {  	_ =	swait.ge [sflag:s14], $0x4000  }
0x67: {  	[sflag:s14] =	ssyncset.done $0x0  }
0x68: {  	[sflag:s14] =	ssyncadd.s32 $0xFFFFC000  }
0x69: {  	[hbm4b:s4+s2] =	stream.linear.scatter [tilespmem:s11], [sflag:$0x2], $0x4000, $0x38;
	[tilespmem:$0x85C0] =	vst v63  }
0x6a: {  	_ =	swait.ge [sflag:s14], $0x4000  }
0x6b: {  	[sflag:s14] =	ssyncset.done $0x0  }
0x6c: {  	[sflag:s14] =	ssyncadd.s32 $0xFFFFC000  }
0x6d: {  	[hbm4b:s6+s2] =	stream.linear.scatter [tilespmem:s12], [sflag:$0x2], $0x4000, $0x38;
	[tilespmem:$0x85C0] =	vst v63  }
0x6e: {  	_ =	swait.ge [sflag:s15], $0x80  }
0x6f: {  	[sflag:s15] =	ssyncset.done $0x0  }
0x70: {  	[sflag:s15] =	ssyncadd.s32 $0xFFFFFF80  }
0x71: {  	_ =	swait.ge [sflag:s15], $0x80  }
0x72: {  	[sflag:s15] =	ssyncset.done $0x0  }
0x73: {  	[sflag:s15] =	ssyncadd.s32 $0xFFFFFF80  }
0x74: {  	_ =	swait.ge [sflag:s16], $0x4000  }
0x75: {  	[sflag:s16] =	ssyncset.done $0x0  }
0x76: {  	[sflag:s16] =	ssyncadd.s32 $0xFFFFC000  }
0x77: {  	s19 =	simm.s32 @!p0 $0x1;
	_ =	swait.ge [sflag:s16], $0x4000  }
0x78: {  	s20 =	simm.s32 @!p0 $0x20;
	s8 =	sadd.s32 $0xFFFFFFFF, s8;
	[sflag:s16] =	ssyncset.done $0x0  }
0x79: {  	s21 =	simm.s32 @!p0 $0x10;
	p1 =	sne.s32 s8, $0x0;
	[sflag:s16] =	ssyncadd.s32 $0xFFFFC000  }
.Ltmp0:
0x7a: {  	s22 =	simm.s32 @!p0 $0x1C04;
	[bflag:$0x0] =	sbarrier.arrive $0xFFFF;
	(pc) =	sbr.rel @p1 .LBB2_1-.Ltmp0, $4  }
0x7b: {  	[hbm:s7@s20], [sflag:s22] =	dma.strided @!p0 [spmem:s17@s21], $0x80, s19, $0x10   }
0x7c: {  	_ =	swait.ge @!p0 [sflag:s18], $0x80  }
0x7d: {  	[sflag:s18] =	ssyncset.done @!p0 $0x0  }
0x7e: {  	[sflag:s18] =	ssyncadd.s32 @!p0 $0xFFFFFF80  }
0x7f: {  	_ =	sfence.sel $0x180000  }
0x80: {  	[bflag:$0x0] =	sbarrier.arrive $0xFFFF  }
0x81: {  	_ =	strace $0x90000047  }
0x82: {  	s0 =	sadd.s32 @!p0 $0x100000, s0;
	[bflag:$0x2] =	sbarrier.arrive $0xFFFF  }
0x83: {  	[sflag:s0] =	ssyncadd.tile.s32 @!p0 $0x1;
	_ =	shalt  }
.Lfunc_end2:
_tile_overlayer_lowered:
.L_overlay_start_2:
0x84: {  	(tag) =	ssettag $0x2  }
0x85: {  	s0 =	rddreg [dreg:$0x0];
	s2 =	stileid.u32  }
0x86: {  	s1 =	rddreg [dreg:$0x1];
	p0 =	sne.s32 s2, $0x0  }
0x87: {  	s3 =	rddreg [dreg:$0x2];
	[bflag:$0x3] =	sbarrier.arrive $0xFFFF;
	s2 =	simm.s32 @!p0 $0x1C04  }
0x88: {  	[timem:s3], [sflag:s2] =	dma.local @!p0 [hbm:s0], s1  }
0x89: {  	s0 =	simm.s32 @!p0 $0x4  }
0x8a: {  	_ =	swait.ge @!p0 [sflag:s0], s1  }
0x8b: {  	s1 =	ssub.s32 @!p0 $0x0, s1;
	[sflag:s0] =	ssyncset.done @!p0 $0x0  }
0x8c: {  	[sflag:s0] =	ssyncadd.s32 @!p0 s1  }
0x8d: {  	[bflag:$0x3] =	sbarrier.arrive $0xFFFF  }
0x8e: {  	_ =	shalt  }

</sc_bundles>
